<compile_context>
chip_gen: v7x
topology: tpu7x:2x2x1
jax: 0.10.2.dev20260603
libtpu: 0.0.44.dev20260713+nightly
codegen_flags: <defaults>
</compile_context>

<pallas_src>
import functools

import jax
import jax.numpy as jnp
import numpy as np
from jax import lax
from jax.experimental import pallas as pl
from jax.experimental.pallas import tpu as pltpu
from jax.experimental.pallas import tpu_sc as plsc

B, N, DP, DM, K = 4, 4096, 32, 64, 16
XP = 8
RB = 256
TB = 256
TOT = B * N * K

SC_NC, SC_NS = 2, 16
SC_NW = SC_NC * SC_NS
PW = TOT // SC_NW
CH = 128


def _knn_body(xr_ref, xa_ref, out_ref):
    b = pl.program_id(0)
    xr = xr_ref[0]
    xa = xa_ref[0]
    rn = jnp.sum(xr * xr, axis=-1)
    cn = jnp.sum(xa * xa, axis=-1)
    ab = lax.dot_general(xr, xa, (((1,), (1,)), ((), ())),
                         preferred_element_type=jnp.float32)
    d = (rn[:, None] + cn[None, :]) - 2.0 * ab
    col = lax.broadcasted_iota(jnp.int32, (RB, N), 1).astype(jnp.float32)
    krow = lax.broadcasted_iota(jnp.int32, (K, RB), 0)
    acc = jnp.zeros((K, RB), jnp.float32)
    for j in range(K):
        m = jnp.min(d, axis=1)
        idx = jnp.min(jnp.where(d == m[:, None], col, float(N)), axis=1)
        acc = jnp.where(krow == j, idx[None, :], acc)
        d = jnp.where(col == idx[:, None], jnp.inf, d)
    out_ref[0, 0] = acc.astype(jnp.int32) + b * N


NR = N // RB


def _knn_indices(xyz_pad):
    return pl.pallas_call(
        _knn_body,
        grid=(B, NR),
        in_specs=[
            pl.BlockSpec((1, RB, XP), lambda b, r: (b, r, 0)),
            pl.BlockSpec((1, N, XP), lambda b, r: (b, 0, 0)),
        ],
        out_specs=pl.BlockSpec((1, 1, K, RB), lambda b, r: (b, r, 0, 0)),
        out_shape=jax.ShapeDtypeStruct((B, NR, K, RB), jnp.int32),
    )(xyz_pad, xyz_pad)


GRP = 8
GW = GRP * CH


@functools.cache
def _sc_gather_kernel():
    mesh = plsc.VectorSubcoreMesh(core_axis_name="c", subcore_axis_name="s")

    @functools.partial(
        pl.kernel,
        mesh=mesh,
        out_type=[
            jax.ShapeDtypeStruct((TOT, DP), jnp.float32),
            jax.ShapeDtypeStruct((TOT, XP), jnp.float32),
        ],
        scratch_types=[
            pltpu.VMEM((PW,), jnp.int32),
            pltpu.VMEM((GW, DP), jnp.float32),
            pltpu.VMEM((GW, XP), jnp.float32),
            pltpu.SemaphoreType.DMA,
            pltpu.SemaphoreType.DMA,
        ],
        compiler_params=pltpu.CompilerParams(use_tc_tiling_on_sc=False),
    )
    def gather(feat_hbm, xyzp_hbm, idx_hbm, featg_hbm, xyzg_hbm,
               idx_v, rows_v, xyzr_v, sem_f, sem_x):
        wid = lax.axis_index("s") * SC_NC + lax.axis_index("c")
        base = wid * PW
        pltpu.sync_copy(idx_hbm.at[pl.ds(base, PW)], idx_v)

        def body(g, carry):
            for bi in range(GRP):
                isl = idx_v.at[pl.ds(g * GW + bi * CH, CH)]
                pltpu.async_copy(feat_hbm.at[isl],
                                 rows_v.at[pl.ds(bi * CH, CH)], sem_f)
                pltpu.async_copy(xyzp_hbm.at[isl],
                                 xyzr_v.at[pl.ds(bi * CH, CH)], sem_x)
            pltpu.make_async_copy(feat_hbm.at[pl.ds(0, GW)], rows_v,
                                  sem_f).wait()
            pltpu.make_async_copy(xyzp_hbm.at[pl.ds(0, GW)], xyzr_v,
                                  sem_x).wait()
            off = base + g * GW
            pltpu.sync_copy(rows_v, featg_hbm.at[pl.ds(off, GW)])
            pltpu.sync_copy(xyzr_v, xyzg_hbm.at[pl.ds(off, GW)])
            return carry

        lax.fori_loop(0, PW // GW, body, 0)

    return gather


def _sc_gather(feat2, xyzp2, idxf):
    return _sc_gather_kernel()(feat2, xyzp2, idxf)


def _attn_body(feat_ref, featg_ref, xyzg_ref, xyzb_ref,
               fc1w_ref, fc1b_ref, fc2w_ref, fc2b_ref,
               d1w_ref, d1b_ref, d2w_ref, d2b_ref,
               g1w_ref, g1b_ref, g2w_ref, g2b_ref,
               wq_ref, wk_ref, wv_ref,
               res_ref, attn_ref):
    featb = feat_ref[0]
    featg = featg_ref[0, 0]
    xyzg = xyzg_ref[0, 0]
    xyzb = xyzb_ref[0]
    xyzq = (xyzb[None, :, :] + jnp.zeros((K, TB, XP), jnp.float32)
            ).reshape(K * TB, XP)

    fc1w = fc1w_ref[...]
    fc1b = fc1b_ref[...]

    def mm(a, w):
        return jnp.dot(a, w, preferred_element_type=jnp.float32)

    xb = mm(featb, fc1w) + fc1b
    q = mm(xb, wq_ref[...])
    xg = mm(featg, fc1w) + fc1b
    k_ = mm(xg, wk_ref[...])
    v_ = mm(xg, wv_ref[...])

    pos = xyzq - xyzg
    pe = mm(jax.nn.relu(mm(pos, d1w_ref[...]) + d1b_ref[...]),
            d2w_ref[...]) + d2b_ref[...]

    kp = pe - k_
    a3 = q[None, :, :] + kp.reshape(K, TB, DM)
    h = jax.nn.relu(mm(a3.reshape(K * TB, DM), g1w_ref[...]) + g1b_ref[...])
    logits = (mm(h, g2w_ref[...]) + g2b_ref[...]) * (1.0 / np.sqrt(DM))
    l3 = logits.reshape(K, TB, DM)
    mx = jnp.max(l3, axis=0, keepdims=True)
    e = jnp.exp(l3 - mx)
    attn = e / jnp.sum(e, axis=0, keepdims=True)

    vp = (v_ + pe).reshape(K, TB, DM)
    red = jnp.sum(attn * vp, axis=0)
    res_ref[0] = mm(red, fc2w_ref[...]) + fc2b_ref[...] + featb
    attn_ref[0, 0] = attn.reshape(K * TB, DM)


def _attn_stage(features, featg, xyzg, xyz_pad, weights):
    (fc1w, fc1b, fc2w, fc2b, d1w, d1b, d2w, d2b,
     g1w, g1b, g2w, g2b, wq, wk, wv) = weights

    def wspec(arr):
        nd = arr.ndim
        return pl.BlockSpec(arr.shape, lambda b, t: (0,) * nd)

    d1w = jnp.pad(d1w, ((0, XP - 3), (0, 0)))
    wlist = [fc1w, fc1b, fc2w, fc2b, d1w, d1b, d2w, d2b,
             g1w, g1b, g2w, g2b, wq, wk, wv]
    wlist = [w.reshape(1, -1) if w.ndim == 1 else w for w in wlist]
    return pl.pallas_call(
        _attn_body,
        grid=(B, N // TB),
        in_specs=[
            pl.BlockSpec((1, TB, DP), lambda b, t: (b, t, 0)),
            pl.BlockSpec((1, 1, K * TB, DP), lambda b, t: (b, t, 0, 0)),
            pl.BlockSpec((1, 1, K * TB, XP), lambda b, t: (b, t, 0, 0)),
            pl.BlockSpec((1, TB, XP), lambda b, t: (b, t, 0)),
        ] + [wspec(w) for w in wlist],
        out_specs=[
            pl.BlockSpec((1, TB, DP), lambda b, t: (b, t, 0)),
            pl.BlockSpec((1, 1, K * TB, DM), lambda b, t: (b, t, 0, 0)),
        ],
        out_shape=[
            jax.ShapeDtypeStruct((B, N, DP), jnp.float32),
            jax.ShapeDtypeStruct((B, NR, K * TB, DM), jnp.float32),
        ],
    )(features, featg, xyzg, xyz_pad, *wlist)


def kernel(xyz, features, fc1_w, fc1_b, fc2_w, fc2_b, d1_w, d1_b, d2_w, d2_b,
           g1_w, g1_b, g2_w, g2_b, wq, wk, wv):
    xyz_pad = jnp.pad(xyz, ((0, 0), (0, 0), (0, XP - 3)))
    knn = _knn_indices(xyz_pad)
    featg, xyzg = _sc_gather(
        features.reshape(B * N, DP),
        xyz_pad.reshape(B * N, XP),
        knn.reshape(TOT),
    )
    weights = (fc1_w, fc1_b, fc2_w, fc2_b, d1_w, d1_b, d2_w, d2_b,
               g1_w, g1_b, g2_w, g2_b, wq, wk, wv)
    res, attn2 = _attn_stage(
        features,
        featg.reshape(B, NR, K * RB, DP),
        xyzg.reshape(B, NR, K * RB, XP),
        xyz_pad,
        weights,
    )
    attn = attn2.reshape(B, NR, K, RB, DM).transpose(0, 1, 3, 2, 4)
    return res, attn.reshape(B, N, K, DM)

# --- scband reference (transcript-rebuilt; emitter-appended) ---
"""Pipeline reference for scband-transformer-block-63840393888272 (READ-ONLY COPY).

The authoritative reference and input builder live on the scoring server;
editing this copy changes nothing except your own understanding.
"""

import jax, jax.numpy as jnp
import numpy as np

B, N, D_POINTS, D_MODEL, K = 4, 4096, 32, 64, 16


def square_distance(src, dst):
    return (jnp.sum(src ** 2, axis=-1)[:, :, None]
            + jnp.sum(dst ** 2, axis=-1)[:, None, :]
            - 2.0 * jnp.einsum('bnc,bmc->bnm', src, dst))


def index_points(points, idx):
    raw = idx.shape
    idx2 = idx.reshape(raw[0], -1)
    gathered = jnp.take_along_axis(points, idx2[:, :, None], axis=1)
    return gathered.reshape(*raw, points.shape[-1])


def setup_inputs(seed: int = 0) -> dict:
    key = jax.random.key(seed)
    ks = jax.random.split(key, 16)

    def lin(k, i, o):
        return (jax.random.normal(k, (i, o), dtype=jnp.float32) / np.sqrt(i)).astype(jnp.float32)

    return {
        'xyz': jax.random.uniform(ks[0], (B, N, 3), dtype=jnp.float32),
        'features': jax.random.normal(ks[1], (B, N, D_POINTS), dtype=jnp.float32),
        'fc1_w': lin(ks[2], D_POINTS, D_MODEL), 'fc1_b': jnp.zeros((D_MODEL,), jnp.float32),
        'fc2_w': lin(ks[3], D_MODEL, D_POINTS), 'fc2_b': jnp.zeros((D_POINTS,), jnp.float32),
        'd1_w': lin(ks[4], 3, D_MODEL), 'd1_b': jnp.zeros((D_MODEL,), jnp.float32),
        'd2_w': lin(ks[5], D_MODEL, D_MODEL), 'd2_b': jnp.zeros((D_MODEL,), jnp.float32),
        'g1_w': lin(ks[6], D_MODEL, D_MODEL), 'g1_b': jnp.zeros((D_MODEL,), jnp.float32),
        'g2_w': lin(ks[7], D_MODEL, D_MODEL), 'g2_b': jnp.zeros((D_MODEL,), jnp.float32),
        'wq': lin(ks[8], D_MODEL, D_MODEL),
        'wk': lin(ks[9], D_MODEL, D_MODEL),
        'wv': lin(ks[10], D_MODEL, D_MODEL),
    }


def reference(xyz, features, fc1_w, fc1_b, fc2_w, fc2_b, d1_w, d1_b, d2_w, d2_b,
              g1_w, g1_b, g2_w, g2_b, wq, wk, wv):
    dists = square_distance(xyz, xyz)
    knn_idx = jnp.argsort(dists, axis=-1)[:, :, :K]
    knn_xyz = index_points(xyz, knn_idx)
    pre = features
    x = features @ fc1_w + fc1_b
    q = x @ wq
    k_ = index_points(x @ wk, knn_idx)
    v_ = index_points(x @ wv, knn_idx)
    pos = xyz[:, :, None, :] - knn_xyz
    pos_enc = jax.nn.relu(pos @ d1_w + d1_b) @ d2_w + d2_b
    a = q[:, :, None, :] - k_ + pos_enc
    attn = jax.nn.relu(a @ g1_w + g1_b) @ g2_w + g2_b
    attn = jax.nn.softmax(attn / np.sqrt(k_.shape[-1]), axis=-2)
    res = jnp.einsum('bmnf,bmnf->bmf', attn, v_ + pos_enc)
    res = res @ fc2_w + fc2_b + pre
    return (res, attn)

if __name__ == "__main__":
    import jax
    _d = setup_inputs()
    print(jax.jit(kernel)(*tuple(_d.values())))

</pallas_src>

<mosaic_0001>
#map = affine_map<(d0, d1) -> (0, 0)>
#map1 = affine_map<(d0, d1) -> (0)>
module attributes {stable_mosaic.version = 14 : i64} {
  func.func @gather(%arg0: i32, %arg1: i32, %arg2: memref<16384x32xf32, #tpu.memory_space<hbm>>, %arg3: memref<16384x8xf32, #tpu.memory_space<hbm>>, %arg4: memref<262144xi32, #tpu.memory_space<hbm>>, %arg5: memref<262144x32xf32, #tpu.memory_space<hbm>>, %arg6: memref<262144x8xf32, #tpu.memory_space<hbm>>, %arg7: memref<8192xi32, #tpu.memory_space<vmem>>, %arg8: memref<1024x32xf32, #tpu.memory_space<vmem>>, %arg9: memref<1024x8xf32, #tpu.memory_space<vmem>>, %arg10: memref<!tpu.dma_semaphore, #tpu.memory_space<semaphore_mem>>, %arg11: memref<!tpu.dma_semaphore, #tpu.memory_space<semaphore_mem>>) attributes {dimension_semantics = [#tpu.dimension_semantics<core_parallel>, #tpu.dimension_semantics<subcore_parallel>], iteration_bounds = array<i64: 2, 16>, scalar_prefetch = 0 : i64, scratch_operands = 5 : i64, tpu.core_type = #tpu.core_type<sc_vector_subcore>, window_params = [{transform_indices = #map}, {transform_indices = #map}, {transform_indices = #map1}, {transform_indices = #map}, {transform_indices = #map}]} {
    %mul3A = arith.constant 2 : i32
    %mul3A_0 = arith.muli %arg1, %mul3A : i32
    %add3A = arith.addi %mul3A_0, %arg0 : i32
    %mul3A_1 = arith.constant 8192 : i32
    %mul3A_2 = arith.muli %add3A, %mul3A_1 : i32
    "tpu.region"() ({
      %run_scoped3A = tpu.sem_alloc : memref<!tpu.dma_semaphore, #tpu.memory_space<semaphore_mem>>
      %dma_start3A = tpu.memref_slice %arg4[%mul3A_2] : memref<262144xi32, #tpu.memory_space<hbm>> -> memref<8192xi32, #tpu.memory_space<hbm>>
      %dma_start3A_8 = tpu.memref_slice %arg4[%mul3A_2] : memref<262144xi32, #tpu.memory_space<hbm>> -> memref<8192xi32, #tpu.memory_space<hbm>>
      tpu.enqueue_dma source(%dma_start3A_8 : memref<8192xi32, #tpu.memory_space<hbm>>) target(%arg7 : memref<8192xi32, #tpu.memory_space<vmem>>) target_semaphore(%run_scoped3A : memref<!tpu.dma_semaphore, #tpu.memory_space<semaphore_mem>>)
      %dma_wait3A = tpu.memref_slice %arg4[%mul3A_2] : memref<262144xi32, #tpu.memory_space<hbm>> -> memref<8192xi32, #tpu.memory_space<hbm>>
      %dma_wait3A_9 = tpu.memref_slice %arg4[%mul3A_2] : memref<262144xi32, #tpu.memory_space<hbm>> -> memref<8192xi32, #tpu.memory_space<hbm>>
      tpu.wait_dma2 semaphore(%run_scoped3A : memref<!tpu.dma_semaphore, #tpu.memory_space<semaphore_mem>>) src(%dma_wait3A_9 : memref<8192xi32, #tpu.memory_space<hbm>>) dst(%arg7 : memref<8192xi32, #tpu.memory_space<vmem>>)
      tpu.yield
    }) : () -> ()
    %scan3A = arith.constant 0 : i32
    %scan3A_3 = arith.constant 0 : i32
    %scan3A_4 = arith.constant 8 : i32
    %scan3A_5 = arith.addi %scan3A_3, %scan3A_4 : i32
    %scan3A_6 = arith.constant 1 : i32
    scf.for %scan3A_8 = %scan3A_3 to %scan3A_5 step %scan3A_6  : i32 {
      %mul3A_9 = arith.constant 1024 : i32
      %mul3A_10 = arith.muli %scan3A_8, %mul3A_9 : i32
      %add3A_11 = arith.constant 0 : i32
      %add3A_12 = arith.addi %mul3A_10, %add3A_11 : i32
      %dma_start3A = arith.constant 0 : i32
      %dma_start3A_13 = arith.constant 0 : i32
      %dma_start3A_14 = tpu.memref_slice %arg8[%dma_start3A, %dma_start3A_13] : memref<1024x32xf32, #tpu.memory_space<vmem>> -> memref<128x32xf32, #tpu.memory_space<vmem>>
      %dma_start3A_15 = tpu.memref_slice %arg7[%add3A_12] : memref<8192xi32, #tpu.memory_space<vmem>> -> memref<128xi32, #tpu.memory_space<vmem>>
      %dma_start3A_16 = arith.constant 0 : i32
      %dma_start3A_17 = arith.constant 0 : i32
      %dma_start3A_18 = tpu.memref_slice %arg2[%dma_start3A_16, %dma_start3A_17] : memref<16384x32xf32, #tpu.memory_space<hbm>> -> memref<16384x32xf32, #tpu.memory_space<hbm>>
      tpu.enqueue_indirect_dma source(%dma_start3A_18 : memref<16384x32xf32, #tpu.memory_space<hbm>>) target(%dma_start3A_14 : memref<128x32xf32, #tpu.memory_space<vmem>>) offsets(%dma_start3A_15 : memref<128xi32, #tpu.memory_space<vmem>>) semaphore(%arg10 : memref<!tpu.dma_semaphore, #tpu.memory_space<semaphore_mem>>)
      %dma_start3A_19 = arith.constant 0 : i32
      %dma_start3A_20 = arith.constant 0 : i32
      %dma_start3A_21 = tpu.memref_slice %arg9[%dma_start3A_19, %dma_start3A_20] : memref<1024x8xf32, #tpu.memory_space<vmem>> -> memref<128x8xf32, #tpu.memory_space<vmem>>
      %dma_start3A_22 = tpu.memref_slice %arg7[%add3A_12] : memref<8192xi32, #tpu.memory_space<vmem>> -> memref<128xi32, #tpu.memory_space<vmem>>
      %dma_start3A_23 = arith.constant 0 : i32
      %dma_start3A_24 = arith.constant 0 : i32
      %dma_start3A_25 = tpu.memref_slice %arg3[%dma_start3A_23, %dma_start3A_24] : memref<16384x8xf32, #tpu.memory_space<hbm>> -> memref<16384x8xf32, #tpu.memory_space<hbm>>
      tpu.enqueue_indirect_dma source(%dma_start3A_25 : memref<16384x8xf32, #tpu.memory_space<hbm>>) target(%dma_start3A_21 : memref<128x8xf32, #tpu.memory_space<vmem>>) offsets(%dma_start3A_22 : memref<128xi32, #tpu.memory_space<vmem>>) semaphore(%arg11 : memref<!tpu.dma_semaphore, #tpu.memory_space<semaphore_mem>>)
      %mul3A_26 = arith.constant 1024 : i32
      %mul3A_27 = arith.muli %scan3A_8, %mul3A_26 : i32
      %add3A_28 = arith.constant 128 : i32
      %add3A_29 = arith.addi %mul3A_27, %add3A_28 : i32
      %dma_start3A_30 = arith.constant 128 : i32
      %dma_start3A_31 = arith.constant 0 : i32
      %dma_start3A_32 = tpu.memref_slice %arg8[%dma_start3A_30, %dma_start3A_31] : memref<1024x32xf32, #tpu.memory_space<vmem>> -> memref<128x32xf32, #tpu.memory_space<vmem>>
      %dma_start3A_33 = tpu.memref_slice %arg7[%add3A_29] : memref<8192xi32, #tpu.memory_space<vmem>> -> memref<128xi32, #tpu.memory_space<vmem>>
      %dma_start3A_34 = arith.constant 0 : i32
      %dma_start3A_35 = arith.constant 0 : i32
      %dma_start3A_36 = tpu.memref_slice %arg2[%dma_start3A_34, %dma_start3A_35] : memref<16384x32xf32, #tpu.memory_space<hbm>> -> memref<16384x32xf32, #tpu.memory_space<hbm>>
      tpu.enqueue_indirect_dma source(%dma_start3A_36 : memref<16384x32xf32, #tpu.memory_space<hbm>>) target(%dma_start3A_32 : memref<128x32xf32, #tpu.memory_space<vmem>>) offsets(%dma_start3A_33 : memref<128xi32, #tpu.memory_space<vmem>>) semaphore(%arg10 : memref<!tpu.dma_semaphore, #tpu.memory_space<semaphore_mem>>)
      %dma_start3A_37 = arith.constant 128 : i32
      %dma_start3A_38 = arith.constant 0 : i32
      %dma_start3A_39 = tpu.memref_slice %arg9[%dma_start3A_37, %dma_start3A_38] : memref<1024x8xf32, #tpu.memory_space<vmem>> -> memref<128x8xf32, #tpu.memory_space<vmem>>
      %dma_start3A_40 = tpu.memref_slice %arg7[%add3A_29] : memref<8192xi32, #tpu.memory_space<vmem>> -> memref<128xi32, #tpu.memory_space<vmem>>
      %dma_start3A_41 = arith.constant 0 : i32
      %dma_start3A_42 = arith.constant 0 : i32
      %dma_start3A_43 = tpu.memref_slice %arg3[%dma_start3A_41, %dma_start3A_42] : memref<16384x8xf32, #tpu.memory_space<hbm>> -> memref<16384x8xf32, #tpu.memory_space<hbm>>
      tpu.enqueue_indirect_dma source(%dma_start3A_43 : memref<16384x8xf32, #tpu.memory_space<hbm>>) target(%dma_start3A_39 : memref<128x8xf32, #tpu.memory_space<vmem>>) offsets(%dma_start3A_40 : memref<128xi32, #tpu.memory_space<vmem>>) semaphore(%arg11 : memref<!tpu.dma_semaphore, #tpu.memory_space<semaphore_mem>>)
      %mul3A_44 = arith.constant 1024 : i32
      %mul3A_45 = arith.muli %scan3A_8, %mul3A_44 : i32
      %add3A_46 = arith.constant 256 : i32
      %add3A_47 = arith.addi %mul3A_45, %add3A_46 : i32
      %dma_start3A_48 = arith.constant 256 : i32
      %dma_start3A_49 = arith.constant 0 : i32
      %dma_start3A_50 = tpu.memref_slice %arg8[%dma_start3A_48, %dma_start3A_49] : memref<1024x32xf32, #tpu.memory_space<vmem>> -> memref<128x32xf32, #tpu.memory_space<vmem>>
      %dma_start3A_51 = tpu.memref_slice %arg7[%add3A_47] : memref<8192xi32, #tpu.memory_space<vmem>> -> memref<128xi32, #tpu.memory_space<vmem>>
      %dma_start3A_52 = arith.constant 0 : i32
      %dma_start3A_53 = arith.constant 0 : i32
      %dma_start3A_54 = tpu.memref_slice %arg2[%dma_start3A_52, %dma_start3A_53] : memref<16384x32xf32, #tpu.memory_space<hbm>> -> memref<16384x32xf32, #tpu.memory_space<hbm>>
      tpu.enqueue_indirect_dma source(%dma_start3A_54 : memref<16384x32xf32, #tpu.memory_space<hbm>>) target(%dma_start3A_50 : memref<128x32xf32, #tpu.memory_space<vmem>>) offsets(%dma_start3A_51 : memref<128xi32, #tpu.memory_space<vmem>>) semaphore(%arg10 : memref<!tpu.dma_semaphore, #tpu.memory_space<semaphore_mem>>)
      %dma_start3A_55 = arith.constant 256 : i32
      %dma_start3A_56 = arith.constant 0 : i32
      %dma_start3A_57 = tpu.memref_slice %arg9[%dma_start3A_55, %dma_start3A_56] : memref<1024x8xf32, #tpu.memory_space<vmem>> -> memref<128x8xf32, #tpu.memory_space<vmem>>
      %dma_start3A_58 = tpu.memref_slice %arg7[%add3A_47] : memref<8192xi32, #tpu.memory_space<vmem>> -> memref<128xi32, #tpu.memory_space<vmem>>
      %dma_start3A_59 = arith.constant 0 : i32
      %dma_start3A_60 = arith.constant 0 : i32
      %dma_start3A_61 = tpu.memref_slice %arg3[%dma_start3A_59, %dma_start3A_60] : memref<16384x8xf32, #tpu.memory_space<hbm>> -> memref<16384x8xf32, #tpu.memory_space<hbm>>
      tpu.enqueue_indirect_dma source(%dma_start3A_61 : memref<16384x8xf32, #tpu.memory_space<hbm>>) target(%dma_start3A_57 : memref<128x8xf32, #tpu.memory_space<vmem>>) offsets(%dma_start3A_58 : memref<128xi32, #tpu.memory_space<vmem>>) semaphore(%arg11 : memref<!tpu.dma_semaphore, #tpu.memory_space<semaphore_mem>>)
      %mul3A_62 = arith.constant 1024 : i32
      %mul3A_63 = arith.muli %scan3A_8, %mul3A_62 : i32
      %add3A_64 = arith.constant 384 : i32
      %add3A_65 = arith.addi %mul3A_63, %add3A_64 : i32
      %dma_start3A_66 = arith.constant 384 : i32
      %dma_start3A_67 = arith.constant 0 : i32
      %dma_start3A_68 = tpu.memref_slice %arg8[%dma_start3A_66, %dma_start3A_67] : memref<1024x32xf32, #tpu.memory_space<vmem>> -> memref<128x32xf32, #tpu.memory_space<vmem>>
      %dma_start3A_69 = tpu.memref_slice %arg7[%add3A_65] : memref<8192xi32, #tpu.memory_space<vmem>> -> memref<128xi32, #tpu.memory_space<vmem>>
      %dma_start3A_70 = arith.constant 0 : i32
      %dma_start3A_71 = arith.constant 0 : i32
      %dma_start3A_72 = tpu.memref_slice %arg2[%dma_start3A_70, %dma_start3A_71] : memref<16384x32xf32, #tpu.memory_space<hbm>> -> memref<16384x32xf32, #tpu.memory_space<hbm>>
      tpu.enqueue_indirect_dma source(%dma_start3A_72 : memref<16384x32xf32, #tpu.memory_space<hbm>>) target(%dma_start3A_68 : memref<128x32xf32, #tpu.memory_space<vmem>>) offsets(%dma_start3A_69 : memref<128xi32, #tpu.memory_space<vmem>>) semaphore(%arg10 : memref<!tpu.dma_semaphore, #tpu.memory_space<semaphore_mem>>)
      %dma_start3A_73 = arith.constant 384 : i32
      %dma_start3A_74 = arith.constant 0 : i32
      %dma_start3A_75 = tpu.memref_slice %arg9[%dma_start3A_73, %dma_start3A_74] : memref<1024x8xf32, #tpu.memory_space<vmem>> -> memref<128x8xf32, #tpu.memory_space<vmem>>
      %dma_start3A_76 = tpu.memref_slice %arg7[%add3A_65] : memref<8192xi32, #tpu.memory_space<vmem>> -> memref<128xi32, #tpu.memory_space<vmem>>
      %dma_start3A_77 = arith.constant 0 : i32
      %dma_start3A_78 = arith.constant 0 : i32
      %dma_start3A_79 = tpu.memref_slice %arg3[%dma_start3A_77, %dma_start3A_78] : memref<16384x8xf32, #tpu.memory_space<hbm>> -> memref<16384x8xf32, #tpu.memory_space<hbm>>
      tpu.enqueue_indirect_dma source(%dma_start3A_79 : memref<16384x8xf32, #tpu.memory_space<hbm>>) target(%dma_start3A_75 : memref<128x8xf32, #tpu.memory_space<vmem>>) offsets(%dma_start3A_76 : memref<128xi32, #tpu.memory_space<vmem>>) semaphore(%arg11 : memref<!tpu.dma_semaphore, #tpu.memory_space<semaphore_mem>>)
      %mul3A_80 = arith.constant 1024 : i32
      %mul3A_81 = arith.muli %scan3A_8, %mul3A_80 : i32
      %add3A_82 = arith.constant 512 : i32
      %add3A_83 = arith.addi %mul3A_81, %add3A_82 : i32
      %dma_start3A_84 = arith.constant 512 : i32
      %dma_start3A_85 = arith.constant 0 : i32
      %dma_start3A_86 = tpu.memref_slice %arg8[%dma_start3A_84, %dma_start3A_85] : memref<1024x32xf32, #tpu.memory_space<vmem>> -> memref<128x32xf32, #tpu.memory_space<vmem>>
      %dma_start3A_87 = tpu.memref_slice %arg7[%add3A_83] : memref<8192xi32, #tpu.memory_space<vmem>> -> memref<128xi32, #tpu.memory_space<vmem>>
      %dma_start3A_88 = arith.constant 0 : i32
      %dma_start3A_89 = arith.constant 0 : i32
      %dma_start3A_90 = tpu.memref_slice %arg2[%dma_start3A_88, %dma_start3A_89] : memref<16384x32xf32, #tpu.memory_space<hbm>> -> memref<16384x32xf32, #tpu.memory_space<hbm>>
      tpu.enqueue_indirect_dma source(%dma_start3A_90 : memref<16384x32xf32, #tpu.memory_space<hbm>>) target(%dma_start3A_86 : memref<128x32xf32, #tpu.memory_space<vmem>>) offsets(%dma_start3A_87 : memref<128xi32, #tpu.memory_space<vmem>>) semaphore(%arg10 : memref<!tpu.dma_semaphore, #tpu.memory_space<semaphore_mem>>)
      %dma_start3A_91 = arith.constant 512 : i32
      %dma_start3A_92 = arith.constant 0 : i32
      %dma_start3A_93 = tpu.memref_slice %arg9[%dma_start3A_91, %dma_start3A_92] : memref<1024x8xf32, #tpu.memory_space<vmem>> -> memref<128x8xf32, #tpu.memory_space<vmem>>
      %dma_start3A_94 = tpu.memref_slice %arg7[%add3A_83] : memref<8192xi32, #tpu.memory_space<vmem>> -> memref<128xi32, #tpu.memory_space<vmem>>
      %dma_start3A_95 = arith.constant 0 : i32
      %dma_start3A_96 = arith.constant 0 : i32
      %dma_start3A_97 = tpu.memref_slice %arg3[%dma_start3A_95, %dma_start3A_96] : memref<16384x8xf32, #tpu.memory_space<hbm>> -> memref<16384x8xf32, #tpu.memory_space<hbm>>
      tpu.enqueue_indirect_dma source(%dma_start3A_97 : memref<16384x8xf32, #tpu.memory_space<hbm>>) target(%dma_start3A_93 : memref<128x8xf32, #tpu.memory_space<vmem>>) offsets(%dma_start3A_94 : memref<128xi32, #tpu.memory_space<vmem>>) semaphore(%arg11 : memref<!tpu.dma_semaphore, #tpu.memory_space<semaphore_mem>>)
      %mul3A_98 = arith.constant 1024 : i32
      %mul3A_99 = arith.muli %scan3A_8, %mul3A_98 : i32
      %add3A_100 = arith.constant 640 : i32
      %add3A_101 = arith.addi %mul3A_99, %add3A_100 : i32
      %dma_start3A_102 = arith.constant 640 : i32
      %dma_start3A_103 = arith.constant 0 : i32
      %dma_start3A_104 = tpu.memref_slice %arg8[%dma_start3A_102, %dma_start3A_103] : memref<1024x32xf32, #tpu.memory_space<vmem>> -> memref<128x32xf32, #tpu.memory_space<vmem>>
      %dma_start3A_105 = tpu.memref_slice %arg7[%add3A_101] : memref<8192xi32, #tpu.memory_space<vmem>> -> memref<128xi32, #tpu.memory_space<vmem>>
      %dma_start3A_106 = arith.constant 0 : i32
      %dma_start3A_107 = arith.constant 0 : i32
      %dma_start3A_108 = tpu.memref_slice %arg2[%dma_start3A_106, %dma_start3A_107] : memref<16384x32xf32, #tpu.memory_space<hbm>> -> memref<16384x32xf32, #tpu.memory_space<hbm>>
      tpu.enqueue_indirect_dma source(%dma_start3A_108 : memref<16384x32xf32, #tpu.memory_space<hbm>>) target(%dma_start3A_104 : memref<128x32xf32, #tpu.memory_space<vmem>>) offsets(%dma_start3A_105 : memref<128xi32, #tpu.memory_space<vmem>>) semaphore(%arg10 : memref<!tpu.dma_semaphore, #tpu.memory_space<semaphore_mem>>)
      %dma_start3A_109 = arith.constant 640 : i32
      %dma_start3A_110 = arith.constant 0 : i32
      %dma_start3A_111 = tpu.memref_slice %arg9[%dma_start3A_109, %dma_start3A_110] : memref<1024x8xf32, #tpu.memory_space<vmem>> -> memref<128x8xf32, #tpu.memory_space<vmem>>
      %dma_start3A_112 = tpu.memref_slice %arg7[%add3A_101] : memref<8192xi32, #tpu.memory_space<vmem>> -> memref<128xi32, #tpu.memory_space<vmem>>
      %dma_start3A_113 = arith.constant 0 : i32
      %dma_start3A_114 = arith.constant 0 : i32
      %dma_start3A_115 = tpu.memref_slice %arg3[%dma_start3A_113, %dma_start3A_114] : memref<16384x8xf32, #tpu.memory_space<hbm>> -> memref<16384x8xf32, #tpu.memory_space<hbm>>
      tpu.enqueue_indirect_dma source(%dma_start3A_115 : memref<16384x8xf32, #tpu.memory_space<hbm>>) target(%dma_start3A_111 : memref<128x8xf32, #tpu.memory_space<vmem>>) offsets(%dma_start3A_112 : memref<128xi32, #tpu.memory_space<vmem>>) semaphore(%arg11 : memref<!tpu.dma_semaphore, #tpu.memory_space<semaphore_mem>>)
      %mul3A_116 = arith.constant 1024 : i32
      %mul3A_117 = arith.muli %scan3A_8, %mul3A_116 : i32
      %add3A_118 = arith.constant 768 : i32
      %add3A_119 = arith.addi %mul3A_117, %add3A_118 : i32
      %dma_start3A_120 = arith.constant 768 : i32
      %dma_start3A_121 = arith.constant 0 : i32
      %dma_start3A_122 = tpu.memref_slice %arg8[%dma_start3A_120, %dma_start3A_121] : memref<1024x32xf32, #tpu.memory_space<vmem>> -> memref<128x32xf32, #tpu.memory_space<vmem>>
      %dma_start3A_123 = tpu.memref_slice %arg7[%add3A_119] : memref<8192xi32, #tpu.memory_space<vmem>> -> memref<128xi32, #tpu.memory_space<vmem>>
      %dma_start3A_124 = arith.constant 0 : i32
      %dma_start3A_125 = arith.constant 0 : i32
      %dma_start3A_126 = tpu.memref_slice %arg2[%dma_start3A_124, %dma_start3A_125] : memref<16384x32xf32, #tpu.memory_space<hbm>> -> memref<16384x32xf32, #tpu.memory_space<hbm>>
      tpu.enqueue_indirect_dma source(%dma_start3A_126 : memref<16384x32xf32, #tpu.memory_space<hbm>>) target(%dma_start3A_122 : memref<128x32xf32, #tpu.memory_space<vmem>>) offsets(%dma_start3A_123 : memref<128xi32, #tpu.memory_space<vmem>>) semaphore(%arg10 : memref<!tpu.dma_semaphore, #tpu.memory_space<semaphore_mem>>)
      %dma_start3A_127 = arith.constant 768 : i32
      %dma_start3A_128 = arith.constant 0 : i32
      %dma_start3A_129 = tpu.memref_slice %arg9[%dma_start3A_127, %dma_start3A_128] : memref<1024x8xf32, #tpu.memory_space<vmem>> -> memref<128x8xf32, #tpu.memory_space<vmem>>
      %dma_start3A_130 = tpu.memref_slice %arg7[%add3A_119] : memref<8192xi32, #tpu.memory_space<vmem>> -> memref<128xi32, #tpu.memory_space<vmem>>
      %dma_start3A_131 = arith.constant 0 : i32
      %dma_start3A_132 = arith.constant 0 : i32
      %dma_start3A_133 = tpu.memref_slice %arg3[%dma_start3A_131, %dma_start3A_132] : memref<16384x8xf32, #tpu.memory_space<hbm>> -> memref<16384x8xf32, #tpu.memory_space<hbm>>
      tpu.enqueue_indirect_dma source(%dma_start3A_133 : memref<16384x8xf32, #tpu.memory_space<hbm>>) target(%dma_start3A_129 : memref<128x8xf32, #tpu.memory_space<vmem>>) offsets(%dma_start3A_130 : memref<128xi32, #tpu.memory_space<vmem>>) semaphore(%arg11 : memref<!tpu.dma_semaphore, #tpu.memory_space<semaphore_mem>>)
      %mul3A_134 = arith.constant 1024 : i32
      %mul3A_135 = arith.muli %scan3A_8, %mul3A_134 : i32
      %add3A_136 = arith.constant 896 : i32
      %add3A_137 = arith.addi %mul3A_135, %add3A_136 : i32
      %dma_start3A_138 = arith.constant 896 : i32
      %dma_start3A_139 = arith.constant 0 : i32
      %dma_start3A_140 = tpu.memref_slice %arg8[%dma_start3A_138, %dma_start3A_139] : memref<1024x32xf32, #tpu.memory_space<vmem>> -> memref<128x32xf32, #tpu.memory_space<vmem>>
      %dma_start3A_141 = tpu.memref_slice %arg7[%add3A_137] : memref<8192xi32, #tpu.memory_space<vmem>> -> memref<128xi32, #tpu.memory_space<vmem>>
      %dma_start3A_142 = arith.constant 0 : i32
      %dma_start3A_143 = arith.constant 0 : i32
      %dma_start3A_144 = tpu.memref_slice %arg2[%dma_start3A_142, %dma_start3A_143] : memref<16384x32xf32, #tpu.memory_space<hbm>> -> memref<16384x32xf32, #tpu.memory_space<hbm>>
      tpu.enqueue_indirect_dma source(%dma_start3A_144 : memref<16384x32xf32, #tpu.memory_space<hbm>>) target(%dma_start3A_140 : memref<128x32xf32, #tpu.memory_space<vmem>>) offsets(%dma_start3A_141 : memref<128xi32, #tpu.memory_space<vmem>>) semaphore(%arg10 : memref<!tpu.dma_semaphore, #tpu.memory_space<semaphore_mem>>)
      %dma_start3A_145 = arith.constant 896 : i32
      %dma_start3A_146 = arith.constant 0 : i32
      %dma_start3A_147 = tpu.memref_slice %arg9[%dma_start3A_145, %dma_start3A_146] : memref<1024x8xf32, #tpu.memory_space<vmem>> -> memref<128x8xf32, #tpu.memory_space<vmem>>
      %dma_start3A_148 = tpu.memref_slice %arg7[%add3A_137] : memref<8192xi32, #tpu.memory_space<vmem>> -> memref<128xi32, #tpu.memory_space<vmem>>
      %dma_start3A_149 = arith.constant 0 : i32
      %dma_start3A_150 = arith.constant 0 : i32
      %dma_start3A_151 = tpu.memref_slice %arg3[%dma_start3A_149, %dma_start3A_150] : memref<16384x8xf32, #tpu.memory_space<hbm>> -> memref<16384x8xf32, #tpu.memory_space<hbm>>
      tpu.enqueue_indirect_dma source(%dma_start3A_151 : memref<16384x8xf32, #tpu.memory_space<hbm>>) target(%dma_start3A_147 : memref<128x8xf32, #tpu.memory_space<vmem>>) offsets(%dma_start3A_148 : memref<128xi32, #tpu.memory_space<vmem>>) semaphore(%arg11 : memref<!tpu.dma_semaphore, #tpu.memory_space<semaphore_mem>>)
      %dma_wait3A = arith.constant 0 : i32
      %dma_wait3A_152 = arith.constant 0 : i32
      %dma_wait3A_153 = tpu.memref_slice %arg2[%dma_wait3A, %dma_wait3A_152] : memref<16384x32xf32, #tpu.memory_space<hbm>> -> memref<1024x32xf32, #tpu.memory_space<hbm>>
      %dma_wait3A_154 = arith.constant 0 : i32
      %dma_wait3A_155 = arith.constant 0 : i32
      %dma_wait3A_156 = tpu.memref_slice %arg2[%dma_wait3A_154, %dma_wait3A_155] : memref<16384x32xf32, #tpu.memory_space<hbm>> -> memref<1024x32xf32, #tpu.memory_space<hbm>>
      tpu.wait_dma2 semaphore(%arg10 : memref<!tpu.dma_semaphore, #tpu.memory_space<semaphore_mem>>) src(%dma_wait3A_156 : memref<1024x32xf32, #tpu.memory_space<hbm>>) dst(%arg8 : memref<1024x32xf32, #tpu.memory_space<vmem>>)
      %dma_wait3A_157 = arith.constant 0 : i32
      %dma_wait3A_158 = arith.constant 0 : i32
      %dma_wait3A_159 = tpu.memref_slice %arg3[%dma_wait3A_157, %dma_wait3A_158] : memref<16384x8xf32, #tpu.memory_space<hbm>> -> memref<1024x8xf32, #tpu.memory_space<hbm>>
      %dma_wait3A_160 = arith.constant 0 : i32
      %dma_wait3A_161 = arith.constant 0 : i32
      %dma_wait3A_162 = tpu.memref_slice %arg3[%dma_wait3A_160, %dma_wait3A_161] : memref<16384x8xf32, #tpu.memory_space<hbm>> -> memref<1024x8xf32, #tpu.memory_space<hbm>>
      tpu.wait_dma2 semaphore(%arg11 : memref<!tpu.dma_semaphore, #tpu.memory_space<semaphore_mem>>) src(%dma_wait3A_162 : memref<1024x8xf32, #tpu.memory_space<hbm>>) dst(%arg9 : memref<1024x8xf32, #tpu.memory_space<vmem>>)
      %mul3A_163 = arith.constant 1024 : i32
      %mul3A_164 = arith.muli %scan3A_8, %mul3A_163 : i32
      %add3A_165 = arith.addi %mul3A_2, %mul3A_164 : i32
      "tpu.region"() ({
        %run_scoped3A = tpu.sem_alloc : memref<!tpu.dma_semaphore, #tpu.memory_space<semaphore_mem>>
        %dma_start3A_166 = arith.constant 0 : i32
        %dma_start3A_167 = tpu.memref_slice %arg5[%add3A_165, %dma_start3A_166] : memref<262144x32xf32, #tpu.memory_space<hbm>> -> memref<1024x32xf32, #tpu.memory_space<hbm>>
        %dma_start3A_168 = arith.constant 0 : i32
        %dma_start3A_169 = tpu.memref_slice %arg5[%add3A_165, %dma_start3A_168] : memref<262144x32xf32, #tpu.memory_space<hbm>> -> memref<1024x32xf32, #tpu.memory_space<hbm>>
        tpu.enqueue_dma source(%arg8 : memref<1024x32xf32, #tpu.memory_space<vmem>>) target(%dma_start3A_169 : memref<1024x32xf32, #tpu.memory_space<hbm>>) target_semaphore(%run_scoped3A : memref<!tpu.dma_semaphore, #tpu.memory_space<semaphore_mem>>)
        %dma_wait3A_170 = arith.constant 0 : i32
        %dma_wait3A_171 = tpu.memref_slice %arg5[%add3A_165, %dma_wait3A_170] : memref<262144x32xf32, #tpu.memory_space<hbm>> -> memref<1024x32xf32, #tpu.memory_space<hbm>>
        %dma_wait3A_172 = arith.constant 0 : i32
        %dma_wait3A_173 = tpu.memref_slice %arg5[%add3A_165, %dma_wait3A_172] : memref<262144x32xf32, #tpu.memory_space<hbm>> -> memref<1024x32xf32, #tpu.memory_space<hbm>>
        tpu.wait_dma2 semaphore(%run_scoped3A : memref<!tpu.dma_semaphore, #tpu.memory_space<semaphore_mem>>) src(%arg8 : memref<1024x32xf32, #tpu.memory_space<vmem>>) dst(%dma_wait3A_173 : memref<1024x32xf32, #tpu.memory_space<hbm>>)
        tpu.yield
      }) : () -> ()
      "tpu.region"() ({
        %run_scoped3A = tpu.sem_alloc : memref<!tpu.dma_semaphore, #tpu.memory_space<semaphore_mem>>
        %dma_start3A_166 = arith.constant 0 : i32
        %dma_start3A_167 = tpu.memref_slice %arg6[%add3A_165, %dma_start3A_166] : memref<262144x8xf32, #tpu.memory_space<hbm>> -> memref<1024x8xf32, #tpu.memory_space<hbm>>
        %dma_start3A_168 = arith.constant 0 : i32
        %dma_start3A_169 = tpu.memref_slice %arg6[%add3A_165, %dma_start3A_168] : memref<262144x8xf32, #tpu.memory_space<hbm>> -> memref<1024x8xf32, #tpu.memory_space<hbm>>
        tpu.enqueue_dma source(%arg9 : memref<1024x8xf32, #tpu.memory_space<vmem>>) target(%dma_start3A_169 : memref<1024x8xf32, #tpu.memory_space<hbm>>) target_semaphore(%run_scoped3A : memref<!tpu.dma_semaphore, #tpu.memory_space<semaphore_mem>>)
        %dma_wait3A_170 = arith.constant 0 : i32
        %dma_wait3A_171 = tpu.memref_slice %arg6[%add3A_165, %dma_wait3A_170] : memref<262144x8xf32, #tpu.memory_space<hbm>> -> memref<1024x8xf32, #tpu.memory_space<hbm>>
        %dma_wait3A_172 = arith.constant 0 : i32
        %dma_wait3A_173 = tpu.memref_slice %arg6[%add3A_165, %dma_wait3A_172] : memref<262144x8xf32, #tpu.memory_space<hbm>> -> memref<1024x8xf32, #tpu.memory_space<hbm>>
        tpu.wait_dma2 semaphore(%run_scoped3A : memref<!tpu.dma_semaphore, #tpu.memory_space<semaphore_mem>>) src(%arg9 : memref<1024x8xf32, #tpu.memory_space<vmem>>) dst(%dma_wait3A_173 : memref<1024x8xf32, #tpu.memory_space<hbm>>)
        tpu.yield
      }) : () -> ()
    }
    %scan3A_7 = arith.constant 8 : i32
    return
  }
}

module attributes {stable_mosaic.version = 14 : i64} {
  func.func @_knn_body(%arg0: i32, %arg1: i32, %arg2: memref<1x256x8xf32, #tpu.memory_space<vmem>>, %arg3: memref<1x4096x8xf32, #tpu.memory_space<vmem>>, %arg4: memref<1x1x16x256xi32, #tpu.memory_space<vmem>>) attributes {dimension_semantics = [#tpu.dimension_semantics<arbitrary>, #tpu.dimension_semantics<arbitrary>], iteration_bounds = array<i64: 4, 16>, scalar_prefetch = 0 : i64, scratch_operands = 0 : i64, tpu.core_type = #tpu.core_type<tc>, window_params = [{transform_indices = @transform_0, window_bounds = array<i64: 1, 256, 8>}, {transform_indices = @transform_1, window_bounds = array<i64: 1, 4096, 8>}, {transform_indices = @transform_2, window_bounds = array<i64: 1, 1, 16, 256>}]} {
    %get3A = arith.constant 0 : index
    %get3A_0 = arith.constant 0 : index
    %get3A_1 = arith.constant 0 : index
    %get3A_2 = vector.load %arg2[%get3A, %get3A_0, %get3A_1] : memref<1x256x8xf32, #tpu.memory_space<vmem>>, vector<1x256x8xf32>
    %get3A_3 = vector.shape_cast %get3A_2 : vector<1x256x8xf32> to vector<256x8xf32>
    %get3A_4 = arith.constant 0 : index
    %get3A_5 = arith.constant 0 : index
    %get3A_6 = arith.constant 0 : index
    %get3A_7 = vector.load %arg3[%get3A_4, %get3A_5, %get3A_6] : memref<1x4096x8xf32, #tpu.memory_space<vmem>>, vector<1x4096x8xf32>
    %get3A_8 = vector.shape_cast %get3A_7 : vector<1x4096x8xf32> to vector<4096x8xf32>
    %mul3A = arith.mulf %get3A_3, %get3A_3 : vector<256x8xf32>
    %reduce_sum3A = arith.constant dense<0.000000e+00> : vector<256xf32>
    %reduce_sum3A_9 = vector.multi_reduction <add>, %mul3A, %reduce_sum3A [1] : vector<256x8xf32> to vector<256xf32>
    %mul3A_10 = arith.mulf %get3A_8, %get3A_8 : vector<4096x8xf32>
    %reduce_sum3A_11 = arith.constant dense<0.000000e+00> : vector<4096xf32>
    %reduce_sum3A_12 = vector.multi_reduction <add>, %mul3A_10, %reduce_sum3A_11 [1] : vector<4096x8xf32> to vector<4096xf32>
    %dot_general3A = arith.constant dense<0.000000e+00> : vector<256x4096xf32>
    %dot_general3A_13 = tpu.matmul %get3A_3, %get3A_8, %dot_general3A {dimension_numbers = #tpu.dot_dimension_numbers<[1], [1], [0], [0], [0, 0, 1, 0], [], []>, transpose_lhs_hint = false} : vector<256x8xf32>, vector<4096x8xf32>, vector<256x4096xf32> -> vector<256x4096xf32>
    %broadcast_in_dim3A = vector.shape_cast %reduce_sum3A_9 : vector<256xf32> to vector<256x1xf32>
    %broadcast_in_dim3A_14 = vector.shape_cast %reduce_sum3A_12 : vector<4096xf32> to vector<1x4096xf32>
    %add3A = vector.broadcast %broadcast_in_dim3A : vector<256x1xf32> to vector<256x4096xf32>
    %add3A_15 = vector.broadcast %broadcast_in_dim3A_14 : vector<1x4096xf32> to vector<256x4096xf32>
    %add3A_16 = arith.addf %add3A, %add3A_15 : vector<256x4096xf32>
    %mul3A_17 = arith.constant 2.000000e+00 : f32
    %mul3A_18 = vector.broadcast %mul3A_17 : f32 to vector<256x4096xf32>
    %mul3A_19 = arith.mulf %mul3A_18, %dot_general3A_13 : vector<256x4096xf32>
    %sub3A = arith.subf %add3A_16, %mul3A_19 : vector<256x4096xf32>
    %iota3A = tpu.iota {dimensions = array<i32: 1>} : vector<256x4096xi32>
    %convert_element_type3A = arith.sitofp %iota3A : vector<256x4096xi32> to vector<256x4096xf32>
    %iota3A_20 = tpu.iota {dimensions = array<i32: 0>} : vector<16x256xi32>
    %broadcast_in_dim3A_21 = arith.constant 0.000000e+00 : f32
    %broadcast_in_dim3A_22 = vector.broadcast %broadcast_in_dim3A_21 : f32 to vector<16x256xf32>
    %reduce_min3A = arith.constant dense<0x7F800000> : vector<256xf32>
    %reduce_min3A_23 = vector.multi_reduction <minimumf>, %sub3A, %reduce_min3A [1] : vector<256x4096xf32> to vector<256xf32>
    %broadcast_in_dim3A_24 = vector.shape_cast %reduce_min3A_23 : vector<256xf32> to vector<256x1xf32>
    %eq3A = vector.broadcast %broadcast_in_dim3A_24 : vector<256x1xf32> to vector<256x4096xf32>
    %eq3A_25 = arith.cmpf oeq, %sub3A, %eq3A : vector<256x4096xf32>
    %jit3A = arith.constant 4.096000e+03 : f32
    %broadcast_in_dim3A_26 = vector.broadcast %jit3A : f32 to vector<256x4096xf32>
    %select_n3A = arith.select %eq3A_25, %convert_element_type3A, %broadcast_in_dim3A_26 : vector<256x4096xi1>, vector<256x4096xf32>
    %reduce_min3A_27 = arith.constant dense<0x7F800000> : vector<256xf32>
    %reduce_min3A_28 = vector.multi_reduction <minimumf>, %select_n3A, %reduce_min3A_27 [1] : vector<256x4096xf32> to vector<256xf32>
    %eq3A_29 = arith.constant 0 : i32
    %eq3A_30 = vector.broadcast %eq3A_29 : i32 to vector<16x256xi32>
    %eq3A_31 = arith.cmpi eq, %iota3A_20, %eq3A_30 : vector<16x256xi32>
    %broadcast_in_dim3A_32 = vector.shape_cast %reduce_min3A_28 : vector<256xf32> to vector<1x256xf32>
    %broadcast_in_dim3A_33 = vector.shape_cast %broadcast_in_dim3A_32 : vector<1x256xf32> to vector<1x256xf32>
    %broadcast_in_dim3A_34 = vector.broadcast %broadcast_in_dim3A_33 : vector<1x256xf32> to vector<16x256xf32>
    %select_n3A_35 = arith.select %eq3A_31, %broadcast_in_dim3A_34, %broadcast_in_dim3A_22 : vector<16x256xi1>, vector<16x256xf32>
    %broadcast_in_dim3A_36 = vector.shape_cast %reduce_min3A_28 : vector<256xf32> to vector<256x1xf32>
    %eq3A_37 = vector.broadcast %broadcast_in_dim3A_36 : vector<256x1xf32> to vector<256x4096xf32>
    %eq3A_38 = arith.cmpf oeq, %convert_element_type3A, %eq3A_37 : vector<256x4096xf32>
    %jit3A_39 = arith.constant 0x7F800000 : f32
    %broadcast_in_dim3A_40 = vector.broadcast %jit3A_39 : f32 to vector<256x4096xf32>
    %select_n3A_41 = arith.select %eq3A_38, %broadcast_in_dim3A_40, %sub3A : vector<256x4096xi1>, vector<256x4096xf32>
    %reduce_min3A_42 = arith.constant dense<0x7F800000> : vector<256xf32>
    %reduce_min3A_43 = vector.multi_reduction <minimumf>, %select_n3A_41, %reduce_min3A_42 [1] : vector<256x4096xf32> to vector<256xf32>
    %broadcast_in_dim3A_44 = vector.shape_cast %reduce_min3A_43 : vector<256xf32> to vector<256x1xf32>
    %eq3A_45 = vector.broadcast %broadcast_in_dim3A_44 : vector<256x1xf32> to vector<256x4096xf32>
    %eq3A_46 = arith.cmpf oeq, %select_n3A_41, %eq3A_45 : vector<256x4096xf32>
    %jit3A_47 = arith.constant 4.096000e+03 : f32
    %broadcast_in_dim3A_48 = vector.broadcast %jit3A_47 : f32 to vector<256x4096xf32>
    %select_n3A_49 = arith.select %eq3A_46, %convert_element_type3A, %broadcast_in_dim3A_48 : vector<256x4096xi1>, vector<256x4096xf32>
    %reduce_min3A_50 = arith.constant dense<0x7F800000> : vector<256xf32>
    %reduce_min3A_51 = vector.multi_reduction <minimumf>, %select_n3A_49, %reduce_min3A_50 [1] : vector<256x4096xf32> to vector<256xf32>
    %eq3A_52 = arith.constant 1 : i32
    %eq3A_53 = vector.broadcast %eq3A_52 : i32 to vector<16x256xi32>
    %eq3A_54 = arith.cmpi eq, %iota3A_20, %eq3A_53 : vector<16x256xi32>
    %broadcast_in_dim3A_55 = vector.shape_cast %reduce_min3A_51 : vector<256xf32> to vector<1x256xf32>
    %broadcast_in_dim3A_56 = vector.shape_cast %broadcast_in_dim3A_55 : vector<1x256xf32> to vector<1x256xf32>
    %broadcast_in_dim3A_57 = vector.broadcast %broadcast_in_dim3A_56 : vector<1x256xf32> to vector<16x256xf32>
    %select_n3A_58 = arith.select %eq3A_54, %broadcast_in_dim3A_57, %select_n3A_35 : vector<16x256xi1>, vector<16x256xf32>
    %broadcast_in_dim3A_59 = vector.shape_cast %reduce_min3A_51 : vector<256xf32> to vector<256x1xf32>
    %eq3A_60 = vector.broadcast %broadcast_in_dim3A_59 : vector<256x1xf32> to vector<256x4096xf32>
    %eq3A_61 = arith.cmpf oeq, %convert_element_type3A, %eq3A_60 : vector<256x4096xf32>
    %jit3A_62 = arith.constant 0x7F800000 : f32
    %broadcast_in_dim3A_63 = vector.broadcast %jit3A_62 : f32 to vector<256x4096xf32>
    %select_n3A_64 = arith.select %eq3A_61, %broadcast_in_dim3A_63, %select_n3A_41 : vector<256x4096xi1>, vector<256x4096xf32>
    %reduce_min3A_65 = arith.constant dense<0x7F800000> : vector<256xf32>
    %reduce_min3A_66 = vector.multi_reduction <minimumf>, %select_n3A_64, %reduce_min3A_65 [1] : vector<256x4096xf32> to vector<256xf32>
    %broadcast_in_dim3A_67 = vector.shape_cast %reduce_min3A_66 : vector<256xf32> to vector<256x1xf32>
    %eq3A_68 = vector.broadcast %broadcast_in_dim3A_67 : vector<256x1xf32> to vector<256x4096xf32>
    %eq3A_69 = arith.cmpf oeq, %select_n3A_64, %eq3A_68 : vector<256x4096xf32>
    %jit3A_70 = arith.constant 4.096000e+03 : f32
    %broadcast_in_dim3A_71 = vector.broadcast %jit3A_70 : f32 to vector<256x4096xf32>
    %select_n3A_72 = arith.select %eq3A_69, %convert_element_type3A, %broadcast_in_dim3A_71 : vector<256x4096xi1>, vector<256x4096xf32>
    %reduce_min3A_73 = arith.constant dense<0x7F800000> : vector<256xf32>
    %reduce_min3A_74 = vector.multi_reduction <minimumf>, %select_n3A_72, %reduce_min3A_73 [1] : vector<256x4096xf32> to vector<256xf32>
    %eq3A_75 = arith.constant 2 : i32
    %eq3A_76 = vector.broadcast %eq3A_75 : i32 to vector<16x256xi32>
    %eq3A_77 = arith.cmpi eq, %iota3A_20, %eq3A_76 : vector<16x256xi32>
    %broadcast_in_dim3A_78 = vector.shape_cast %reduce_min3A_74 : vector<256xf32> to vector<1x256xf32>
    %broadcast_in_dim3A_79 = vector.shape_cast %broadcast_in_dim3A_78 : vector<1x256xf32> to vector<1x256xf32>
    %broadcast_in_dim3A_80 = vector.broadcast %broadcast_in_dim3A_79 : vector<1x256xf32> to vector<16x256xf32>
    %select_n3A_81 = arith.select %eq3A_77, %broadcast_in_dim3A_80, %select_n3A_58 : vector<16x256xi1>, vector<16x256xf32>
    %broadcast_in_dim3A_82 = vector.shape_cast %reduce_min3A_74 : vector<256xf32> to vector<256x1xf32>
    %eq3A_83 = vector.broadcast %broadcast_in_dim3A_82 : vector<256x1xf32> to vector<256x4096xf32>
    %eq3A_84 = arith.cmpf oeq, %convert_element_type3A, %eq3A_83 : vector<256x4096xf32>
    %jit3A_85 = arith.constant 0x7F800000 : f32
    %broadcast_in_dim3A_86 = vector.broadcast %jit3A_85 : f32 to vector<256x4096xf32>
    %select_n3A_87 = arith.select %eq3A_84, %broadcast_in_dim3A_86, %select_n3A_64 : vector<256x4096xi1>, vector<256x4096xf32>
    %reduce_min3A_88 = arith.constant dense<0x7F800000> : vector<256xf32>
    %reduce_min3A_89 = vector.multi_reduction <minimumf>, %select_n3A_87, %reduce_min3A_88 [1] : vector<256x4096xf32> to vector<256xf32>
    %broadcast_in_dim3A_90 = vector.shape_cast %reduce_min3A_89 : vector<256xf32> to vector<256x1xf32>
    %eq3A_91 = vector.broadcast %broadcast_in_dim3A_90 : vector<256x1xf32> to vector<256x4096xf32>
    %eq3A_92 = arith.cmpf oeq, %select_n3A_87, %eq3A_91 : vector<256x4096xf32>
    %jit3A_93 = arith.constant 4.096000e+03 : f32
    %broadcast_in_dim3A_94 = vector.broadcast %jit3A_93 : f32 to vector<256x4096xf32>
    %select_n3A_95 = arith.select %eq3A_92, %convert_element_type3A, %broadcast_in_dim3A_94 : vector<256x4096xi1>, vector<256x4096xf32>
    %reduce_min3A_96 = arith.constant dense<0x7F800000> : vector<256xf32>
    %reduce_min3A_97 = vector.multi_reduction <minimumf>, %select_n3A_95, %reduce_min3A_96 [1] : vector<256x4096xf32> to vector<256xf32>
    %eq3A_98 = arith.constant 3 : i32
    %eq3A_99 = vector.broadcast %eq3A_98 : i32 to vector<16x256xi32>
    %eq3A_100 = arith.cmpi eq, %iota3A_20, %eq3A_99 : vector<16x256xi32>
    %broadcast_in_dim3A_101 = vector.shape_cast %reduce_min3A_97 : vector<256xf32> to vector<1x256xf32>
    %broadcast_in_dim3A_102 = vector.shape_cast %broadcast_in_dim3A_101 : vector<1x256xf32> to vector<1x256xf32>
    %broadcast_in_dim3A_103 = vector.broadcast %broadcast_in_dim3A_102 : vector<1x256xf32> to vector<16x256xf32>
    %select_n3A_104 = arith.select %eq3A_100, %broadcast_in_dim3A_103, %select_n3A_81 : vector<16x256xi1>, vector<16x256xf32>
    %broadcast_in_dim3A_105 = vector.shape_cast %reduce_min3A_97 : vector<256xf32> to vector<256x1xf32>
    %eq3A_106 = vector.broadcast %broadcast_in_dim3A_105 : vector<256x1xf32> to vector<256x4096xf32>
    %eq3A_107 = arith.cmpf oeq, %convert_element_type3A, %eq3A_106 : vector<256x4096xf32>
    %jit3A_108 = arith.constant 0x7F800000 : f32
    %broadcast_in_dim3A_109 = vector.broadcast %jit3A_108 : f32 to vector<256x4096xf32>
    %select_n3A_110 = arith.select %eq3A_107, %broadcast_in_dim3A_109, %select_n3A_87 : vector<256x4096xi1>, vector<256x4096xf32>
    %reduce_min3A_111 = arith.constant dense<0x7F800000> : vector<256xf32>
    %reduce_min3A_112 = vector.multi_reduction <minimumf>, %select_n3A_110, %reduce_min3A_111 [1] : vector<256x4096xf32> to vector<256xf32>
    %broadcast_in_dim3A_113 = vector.shape_cast %reduce_min3A_112 : vector<256xf32> to vector<256x1xf32>
    %eq3A_114 = vector.broadcast %broadcast_in_dim3A_113 : vector<256x1xf32> to vector<256x4096xf32>
    %eq3A_115 = arith.cmpf oeq, %select_n3A_110, %eq3A_114 : vector<256x4096xf32>
    %jit3A_116 = arith.constant 4.096000e+03 : f32
    %broadcast_in_dim3A_117 = vector.broadcast %jit3A_116 : f32 to vector<256x4096xf32>
    %select_n3A_118 = arith.select %eq3A_115, %convert_element_type3A, %broadcast_in_dim3A_117 : vector<256x4096xi1>, vector<256x4096xf32>
    %reduce_min3A_119 = arith.constant dense<0x7F800000> : vector<256xf32>
    %reduce_min3A_120 = vector.multi_reduction <minimumf>, %select_n3A_118, %reduce_min3A_119 [1] : vector<256x4096xf32> to vector<256xf32>
    %eq3A_121 = arith.constant 4 : i32
    %eq3A_122 = vector.broadcast %eq3A_121 : i32 to vector<16x256xi32>
    %eq3A_123 = arith.cmpi eq, %iota3A_20, %eq3A_122 : vector<16x256xi32>
    %broadcast_in_dim3A_124 = vector.shape_cast %reduce_min3A_120 : vector<256xf32> to vector<1x256xf32>
    %broadcast_in_dim3A_125 = vector.shape_cast %broadcast_in_dim3A_124 : vector<1x256xf32> to vector<1x256xf32>
    %broadcast_in_dim3A_126 = vector.broadcast %broadcast_in_dim3A_125 : vector<1x256xf32> to vector<16x256xf32>
    %select_n3A_127 = arith.select %eq3A_123, %broadcast_in_dim3A_126, %select_n3A_104 : vector<16x256xi1>, vector<16x256xf32>
    %broadcast_in_dim3A_128 = vector.shape_cast %reduce_min3A_120 : vector<256xf32> to vector<256x1xf32>
    %eq3A_129 = vector.broadcast %broadcast_in_dim3A_128 : vector<256x1xf32> to vector<256x4096xf32>
    %eq3A_130 = arith.cmpf oeq, %convert_element_type3A, %eq3A_129 : vector<256x4096xf32>
    %jit3A_131 = arith.constant 0x7F800000 : f32
    %broadcast_in_dim3A_132 = vector.broadcast %jit3A_131 : f32 to vector<256x4096xf32>
    %select_n3A_133 = arith.select %eq3A_130, %broadcast_in_dim3A_132, %select_n3A_110 : vector<256x4096xi1>, vector<256x4096xf32>
    %reduce_min3A_134 = arith.constant dense<0x7F800000> : vector<256xf32>
    %reduce_min3A_135 = vector.multi_reduction <minimumf>, %select_n3A_133, %reduce_min3A_134 [1] : vector<256x4096xf32> to vector<256xf32>
    %broadcast_in_dim3A_136 = vector.shape_cast %reduce_min3A_135 : vector<256xf32> to vector<256x1xf32>
    %eq3A_137 = vector.broadcast %broadcast_in_dim3A_136 : vector<256x1xf32> to vector<256x4096xf32>
    %eq3A_138 = arith.cmpf oeq, %select_n3A_133, %eq3A_137 : vector<256x4096xf32>
    %jit3A_139 = arith.constant 4.096000e+03 : f32
    %broadcast_in_dim3A_140 = vector.broadcast %jit3A_139 : f32 to vector<256x4096xf32>
    %select_n3A_141 = arith.select %eq3A_138, %convert_element_type3A, %broadcast_in_dim3A_140 : vector<256x4096xi1>, vector<256x4096xf32>
    %reduce_min3A_142 = arith.constant dense<0x7F800000> : vector<256xf32>
    %reduce_min3A_143 = vector.multi_reduction <minimumf>, %select_n3A_141, %reduce_min3A_142 [1] : vector<256x4096xf32> to vector<256xf32>
    %eq3A_144 = arith.constant 5 : i32
    %eq3A_145 = vector.broadcast %eq3A_144 : i32 to vector<16x256xi32>
    %eq3A_146 = arith.cmpi eq, %iota3A_20, %eq3A_145 : vector<16x256xi32>
    %broadcast_in_dim3A_147 = vector.shape_cast %reduce_min3A_143 : vector<256xf32> to vector<1x256xf32>
    %broadcast_in_dim3A_148 = vector.shape_cast %broadcast_in_dim3A_147 : vector<1x256xf32> to vector<1x256xf32>
    %broadcast_in_dim3A_149 = vector.broadcast %broadcast_in_dim3A_148 : vector<1x256xf32> to vector<16x256xf32>
    %select_n3A_150 = arith.select %eq3A_146, %broadcast_in_dim3A_149, %select_n3A_127 : vector<16x256xi1>, vector<16x256xf32>
    %broadcast_in_dim3A_151 = vector.shape_cast %reduce_min3A_143 : vector<256xf32> to vector<256x1xf32>
    %eq3A_152 = vector.broadcast %broadcast_in_dim3A_151 : vector<256x1xf32> to vector<256x4096xf32>
    %eq3A_153 = arith.cmpf oeq, %convert_element_type3A, %eq3A_152 : vector<256x4096xf32>
    %jit3A_154 = arith.constant 0x7F800000 : f32
    %broadcast_in_dim3A_155 = vector.broadcast %jit3A_154 : f32 to vector<256x4096xf32>
    %select_n3A_156 = arith.select %eq3A_153, %broadcast_in_dim3A_155, %select_n3A_133 : vector<256x4096xi1>, vector<256x4096xf32>
    %reduce_min3A_157 = arith.constant dense<0x7F800000> : vector<256xf32>
    %reduce_min3A_158 = vector.multi_reduction <minimumf>, %select_n3A_156, %reduce_min3A_157 [1] : vector<256x4096xf32> to vector<256xf32>
    %broadcast_in_dim3A_159 = vector.shape_cast %reduce_min3A_158 : vector<256xf32> to vector<256x1xf32>
    %eq3A_160 = vector.broadcast %broadcast_in_dim3A_159 : vector<256x1xf32> to vector<256x4096xf32>
    %eq3A_161 = arith.cmpf oeq, %select_n3A_156, %eq3A_160 : vector<256x4096xf32>
    %jit3A_162 = arith.constant 4.096000e+03 : f32
    %broadcast_in_dim3A_163 = vector.broadcast %jit3A_162 : f32 to vector<256x4096xf32>
    %select_n3A_164 = arith.select %eq3A_161, %convert_element_type3A, %broadcast_in_dim3A_163 : vector<256x4096xi1>, vector<256x4096xf32>
    %reduce_min3A_165 = arith.constant dense<0x7F800000> : vector<256xf32>
    %reduce_min3A_166 = vector.multi_reduction <minimumf>, %select_n3A_164, %reduce_min3A_165 [1] : vector<256x4096xf32> to vector<256xf32>
    %eq3A_167 = arith.constant 6 : i32
    %eq3A_168 = vector.broadcast %eq3A_167 : i32 to vector<16x256xi32>
    %eq3A_169 = arith.cmpi eq, %iota3A_20, %eq3A_168 : vector<16x256xi32>
    %broadcast_in_dim3A_170 = vector.shape_cast %reduce_min3A_166 : vector<256xf32> to vector<1x256xf32>
    %broadcast_in_dim3A_171 = vector.shape_cast %broadcast_in_dim3A_170 : vector<1x256xf32> to vector<1x256xf32>
    %broadcast_in_dim3A_172 = vector.broadcast %broadcast_in_dim3A_171 : vector<1x256xf32> to vector<16x256xf32>
    %select_n3A_173 = arith.select %eq3A_169, %broadcast_in_dim3A_172, %select_n3A_150 : vector<16x256xi1>, vector<16x256xf32>
    %broadcast_in_dim3A_174 = vector.shape_cast %reduce_min3A_166 : vector<256xf32> to vector<256x1xf32>
    %eq3A_175 = vector.broadcast %broadcast_in_dim3A_174 : vector<256x1xf32> to vector<256x4096xf32>
    %eq3A_176 = arith.cmpf oeq, %convert_element_type3A, %eq3A_175 : vector<256x4096xf32>
    %jit3A_177 = arith.constant 0x7F800000 : f32
    %broadcast_in_dim3A_178 = vector.broadcast %jit3A_177 : f32 to vector<256x4096xf32>
    %select_n3A_179 = arith.select %eq3A_176, %broadcast_in_dim3A_178, %select_n3A_156 : vector<256x4096xi1>, vector<256x4096xf32>
    %reduce_min3A_180 = arith.constant dense<0x7F800000> : vector<256xf32>
    %reduce_min3A_181 = vector.multi_reduction <minimumf>, %select_n3A_179, %reduce_min3A_180 [1] : vector<256x4096xf32> to vector<256xf32>
    %broadcast_in_dim3A_182 = vector.shape_cast %reduce_min3A_181 : vector<256xf32> to vector<256x1xf32>
    %eq3A_183 = vector.broadcast %broadcast_in_dim3A_182 : vector<256x1xf32> to vector<256x4096xf32>
    %eq3A_184 = arith.cmpf oeq, %select_n3A_179, %eq3A_183 : vector<256x4096xf32>
    %jit3A_185 = arith.constant 4.096000e+03 : f32
    %broadcast_in_dim3A_186 = vector.broadcast %jit3A_185 : f32 to vector<256x4096xf32>
    %select_n3A_187 = arith.select %eq3A_184, %convert_element_type3A, %broadcast_in_dim3A_186 : vector<256x4096xi1>, vector<256x4096xf32>
    %reduce_min3A_188 = arith.constant dense<0x7F800000> : vector<256xf32>
    %reduce_min3A_189 = vector.multi_reduction <minimumf>, %select_n3A_187, %reduce_min3A_188 [1] : vector<256x4096xf32> to vector<256xf32>
    %eq3A_190 = arith.constant 7 : i32
    %eq3A_191 = vector.broadcast %eq3A_190 : i32 to vector<16x256xi32>
    %eq3A_192 = arith.cmpi eq, %iota3A_20, %eq3A_191 : vector<16x256xi32>
    %broadcast_in_dim3A_193 = vector.shape_cast %reduce_min3A_189 : vector<256xf32> to vector<1x256xf32>
    %broadcast_in_dim3A_194 = vector.shape_cast %broadcast_in_dim3A_193 : vector<1x256xf32> to vector<1x256xf32>
    %broadcast_in_dim3A_195 = vector.broadcast %broadcast_in_dim3A_194 : vector<1x256xf32> to vector<16x256xf32>
    %select_n3A_196 = arith.select %eq3A_192, %broadcast_in_dim3A_195, %select_n3A_173 : vector<16x256xi1>, vector<16x256xf32>
    %broadcast_in_dim3A_197 = vector.shape_cast %reduce_min3A_189 : vector<256xf32> to vector<256x1xf32>
    %eq3A_198 = vector.broadcast %broadcast_in_dim3A_197 : vector<256x1xf32> to vector<256x4096xf32>
    %eq3A_199 = arith.cmpf oeq, %convert_element_type3A, %eq3A_198 : vector<256x4096xf32>
    %jit3A_200 = arith.constant 0x7F800000 : f32
    %broadcast_in_dim3A_201 = vector.broadcast %jit3A_200 : f32 to vector<256x4096xf32>
    %select_n3A_202 = arith.select %eq3A_199, %broadcast_in_dim3A_201, %select_n3A_179 : vector<256x4096xi1>, vector<256x4096xf32>
    %reduce_min3A_203 = arith.constant dense<0x7F800000> : vector<256xf32>
    %reduce_min3A_204 = vector.multi_reduction <minimumf>, %select_n3A_202, %reduce_min3A_203 [1] : vector<256x4096xf32> to vector<256xf32>
    %broadcast_in_dim3A_205 = vector.shape_cast %reduce_min3A_204 : vector<256xf32> to vector<256x1xf32>
    %eq3A_206 = vector.broadcast %broadcast_in_dim3A_205 : vector<256x1xf32> to vector<256x4096xf32>
    %eq3A_207 = arith.cmpf oeq, %select_n3A_202, %eq3A_206 : vector<256x4096xf32>
    %jit3A_208 = arith.constant 4.096000e+03 : f32
    %broadcast_in_dim3A_209 = vector.broadcast %jit3A_208 : f32 to vector<256x4096xf32>
    %select_n3A_210 = arith.select %eq3A_207, %convert_element_type3A, %broadcast_in_dim3A_209 : vector<256x4096xi1>, vector<256x4096xf32>
    %reduce_min3A_211 = arith.constant dense<0x7F800000> : vector<256xf32>
    %reduce_min3A_212 = vector.multi_reduction <minimumf>, %select_n3A_210, %reduce_min3A_211 [1] : vector<256x4096xf32> to vector<256xf32>
    %eq3A_213 = arith.constant 8 : i32
    %eq3A_214 = vector.broadcast %eq3A_213 : i32 to vector<16x256xi32>
    %eq3A_215 = arith.cmpi eq, %iota3A_20, %eq3A_214 : vector<16x256xi32>
    %broadcast_in_dim3A_216 = vector.shape_cast %reduce_min3A_212 : vector<256xf32> to vector<1x256xf32>
    %broadcast_in_dim3A_217 = vector.shape_cast %broadcast_in_dim3A_216 : vector<1x256xf32> to vector<1x256xf32>
    %broadcast_in_dim3A_218 = vector.broadcast %broadcast_in_dim3A_217 : vector<1x256xf32> to vector<16x256xf32>
    %select_n3A_219 = arith.select %eq3A_215, %broadcast_in_dim3A_218, %select_n3A_196 : vector<16x256xi1>, vector<16x256xf32>
    %broadcast_in_dim3A_220 = vector.shape_cast %reduce_min3A_212 : vector<256xf32> to vector<256x1xf32>
    %eq3A_221 = vector.broadcast %broadcast_in_dim3A_220 : vector<256x1xf32> to vector<256x4096xf32>
    %eq3A_222 = arith.cmpf oeq, %convert_element_type3A, %eq3A_221 : vector<256x4096xf32>
    %jit3A_223 = arith.constant 0x7F800000 : f32
    %broadcast_in_dim3A_224 = vector.broadcast %jit3A_223 : f32 to vector<256x4096xf32>
    %select_n3A_225 = arith.select %eq3A_222, %broadcast_in_dim3A_224, %select_n3A_202 : vector<256x4096xi1>, vector<256x4096xf32>
    %reduce_min3A_226 = arith.constant dense<0x7F800000> : vector<256xf32>
    %reduce_min3A_227 = vector.multi_reduction <minimumf>, %select_n3A_225, %reduce_min3A_226 [1] : vector<256x4096xf32> to vector<256xf32>
    %broadcast_in_dim3A_228 = vector.shape_cast %reduce_min3A_227 : vector<256xf32> to vector<256x1xf32>
    %eq3A_229 = vector.broadcast %broadcast_in_dim3A_228 : vector<256x1xf32> to vector<256x4096xf32>
    %eq3A_230 = arith.cmpf oeq, %select_n3A_225, %eq3A_229 : vector<256x4096xf32>
    %jit3A_231 = arith.constant 4.096000e+03 : f32
    %broadcast_in_dim3A_232 = vector.broadcast %jit3A_231 : f32 to vector<256x4096xf32>
    %select_n3A_233 = arith.select %eq3A_230, %convert_element_type3A, %broadcast_in_dim3A_232 : vector<256x4096xi1>, vector<256x4096xf32>
    %reduce_min3A_234 = arith.constant dense<0x7F800000> : vector<256xf32>
    %reduce_min3A_235 = vector.multi_reduction <minimumf>, %select_n3A_233, %reduce_min3A_234 [1] : vector<256x4096xf32> to vector<256xf32>
    %eq3A_236 = arith.constant 9 : i32
    %eq3A_237 = vector.broadcast %eq3A_236 : i32 to vector<16x256xi32>
    %eq3A_238 = arith.cmpi eq, %iota3A_20, %eq3A_237 : vector<16x256xi32>
    %broadcast_in_dim3A_239 = vector.shape_cast %reduce_min3A_235 : vector<256xf32> to vector<1x256xf32>
    %broadcast_in_dim3A_240 = vector.shape_cast %broadcast_in_dim3A_239 : vector<1x256xf32> to vector<1x256xf32>
    %broadcast_in_dim3A_241 = vector.broadcast %broadcast_in_dim3A_240 : vector<1x256xf32> to vector<16x256xf32>
    %select_n3A_242 = arith.select %eq3A_238, %broadcast_in_dim3A_241, %select_n3A_219 : vector<16x256xi1>, vector<16x256xf32>
    %broadcast_in_dim3A_243 = vector.shape_cast %reduce_min3A_235 : vector<256xf32> to vector<256x1xf32>
    %eq3A_244 = vector.broadcast %broadcast_in_dim3A_243 : vector<256x1xf32> to vector<256x4096xf32>
    %eq3A_245 = arith.cmpf oeq, %convert_element_type3A, %eq3A_244 : vector<256x4096xf32>
    %jit3A_246 = arith.constant 0x7F800000 : f32
    %broadcast_in_dim3A_247 = vector.broadcast %jit3A_246 : f32 to vector<256x4096xf32>
    %select_n3A_248 = arith.select %eq3A_245, %broadcast_in_dim3A_247, %select_n3A_225 : vector<256x4096xi1>, vector<256x4096xf32>
    %reduce_min3A_249 = arith.constant dense<0x7F800000> : vector<256xf32>
    %reduce_min3A_250 = vector.multi_reduction <minimumf>, %select_n3A_248, %reduce_min3A_249 [1] : vector<256x4096xf32> to vector<256xf32>
    %broadcast_in_dim3A_251 = vector.shape_cast %reduce_min3A_250 : vector<256xf32> to vector<256x1xf32>
    %eq3A_252 = vector.broadcast %broadcast_in_dim3A_251 : vector<256x1xf32> to vector<256x4096xf32>
    %eq3A_253 = arith.cmpf oeq, %select_n3A_248, %eq3A_252 : vector<256x4096xf32>
    %jit3A_254 = arith.constant 4.096000e+03 : f32
    %broadcast_in_dim3A_255 = vector.broadcast %jit3A_254 : f32 to vector<256x4096xf32>
    %select_n3A_256 = arith.select %eq3A_253, %convert_element_type3A, %broadcast_in_dim3A_255 : vector<256x4096xi1>, vector<256x4096xf32>
    %reduce_min3A_257 = arith.constant dense<0x7F800000> : vector<256xf32>
    %reduce_min3A_258 = vector.multi_reduction <minimumf>, %select_n3A_256, %reduce_min3A_257 [1] : vector<256x4096xf32> to vector<256xf32>
    %eq3A_259 = arith.constant 10 : i32
    %eq3A_260 = vector.broadcast %eq3A_259 : i32 to vector<16x256xi32>
    %eq3A_261 = arith.cmpi eq, %iota3A_20, %eq3A_260 : vector<16x256xi32>
    %broadcast_in_dim3A_262 = vector.shape_cast %reduce_min3A_258 : vector<256xf32> to vector<1x256xf32>
    %broadcast_in_dim3A_263 = vector.shape_cast %broadcast_in_dim3A_262 : vector<1x256xf32> to vector<1x256xf32>
    %broadcast_in_dim3A_264 = vector.broadcast %broadcast_in_dim3A_263 : vector<1x256xf32> to vector<16x256xf32>
    %select_n3A_265 = arith.select %eq3A_261, %broadcast_in_dim3A_264, %select_n3A_242 : vector<16x256xi1>, vector<16x256xf32>
    %broadcast_in_dim3A_266 = vector.shape_cast %reduce_min3A_258 : vector<256xf32> to vector<256x1xf32>
    %eq3A_267 = vector.broadcast %broadcast_in_dim3A_266 : vector<256x1xf32> to vector<256x4096xf32>
    %eq3A_268 = arith.cmpf oeq, %convert_element_type3A, %eq3A_267 : vector<256x4096xf32>
    %jit3A_269 = arith.constant 0x7F800000 : f32
    %broadcast_in_dim3A_270 = vector.broadcast %jit3A_269 : f32 to vector<256x4096xf32>
    %select_n3A_271 = arith.select %eq3A_268, %broadcast_in_dim3A_270, %select_n3A_248 : vector<256x4096xi1>, vector<256x4096xf32>
    %reduce_min3A_272 = arith.constant dense<0x7F800000> : vector<256xf32>
    %reduce_min3A_273 = vector.multi_reduction <minimumf>, %select_n3A_271, %reduce_min3A_272 [1] : vector<256x4096xf32> to vector<256xf32>
    %broadcast_in_dim3A_274 = vector.shape_cast %reduce_min3A_273 : vector<256xf32> to vector<256x1xf32>
    %eq3A_275 = vector.broadcast %broadcast_in_dim3A_274 : vector<256x1xf32> to vector<256x4096xf32>
    %eq3A_276 = arith.cmpf oeq, %select_n3A_271, %eq3A_275 : vector<256x4096xf32>
    %jit3A_277 = arith.constant 4.096000e+03 : f32
    %broadcast_in_dim3A_278 = vector.broadcast %jit3A_277 : f32 to vector<256x4096xf32>
    %select_n3A_279 = arith.select %eq3A_276, %convert_element_type3A, %broadcast_in_dim3A_278 : vector<256x4096xi1>, vector<256x4096xf32>
    %reduce_min3A_280 = arith.constant dense<0x7F800000> : vector<256xf32>
    %reduce_min3A_281 = vector.multi_reduction <minimumf>, %select_n3A_279, %reduce_min3A_280 [1] : vector<256x4096xf32> to vector<256xf32>
    %eq3A_282 = arith.constant 11 : i32
    %eq3A_283 = vector.broadcast %eq3A_282 : i32 to vector<16x256xi32>
    %eq3A_284 = arith.cmpi eq, %iota3A_20, %eq3A_283 : vector<16x256xi32>
    %broadcast_in_dim3A_285 = vector.shape_cast %reduce_min3A_281 : vector<256xf32> to vector<1x256xf32>
    %broadcast_in_dim3A_286 = vector.shape_cast %broadcast_in_dim3A_285 : vector<1x256xf32> to vector<1x256xf32>
    %broadcast_in_dim3A_287 = vector.broadcast %broadcast_in_dim3A_286 : vector<1x256xf32> to vector<16x256xf32>
    %select_n3A_288 = arith.select %eq3A_284, %broadcast_in_dim3A_287, %select_n3A_265 : vector<16x256xi1>, vector<16x256xf32>
    %broadcast_in_dim3A_289 = vector.shape_cast %reduce_min3A_281 : vector<256xf32> to vector<256x1xf32>
    %eq3A_290 = vector.broadcast %broadcast_in_dim3A_289 : vector<256x1xf32> to vector<256x4096xf32>
    %eq3A_291 = arith.cmpf oeq, %convert_element_type3A, %eq3A_290 : vector<256x4096xf32>
    %jit3A_292 = arith.constant 0x7F800000 : f32
    %broadcast_in_dim3A_293 = vector.broadcast %jit3A_292 : f32 to vector<256x4096xf32>
    %select_n3A_294 = arith.select %eq3A_291, %broadcast_in_dim3A_293, %select_n3A_271 : vector<256x4096xi1>, vector<256x4096xf32>
    %reduce_min3A_295 = arith.constant dense<0x7F800000> : vector<256xf32>
    %reduce_min3A_296 = vector.multi_reduction <minimumf>, %select_n3A_294, %reduce_min3A_295 [1] : vector<256x4096xf32> to vector<256xf32>
    %broadcast_in_dim3A_297 = vector.shape_cast %reduce_min3A_296 : vector<256xf32> to vector<256x1xf32>
    %eq3A_298 = vector.broadcast %broadcast_in_dim3A_297 : vector<256x1xf32> to vector<256x4096xf32>
    %eq3A_299 = arith.cmpf oeq, %select_n3A_294, %eq3A_298 : vector<256x4096xf32>
    %jit3A_300 = arith.constant 4.096000e+03 : f32
    %broadcast_in_dim3A_301 = vector.broadcast %jit3A_300 : f32 to vector<256x4096xf32>
    %select_n3A_302 = arith.select %eq3A_299, %convert_element_type3A, %broadcast_in_dim3A_301 : vector<256x4096xi1>, vector<256x4096xf32>
    %reduce_min3A_303 = arith.constant dense<0x7F800000> : vector<256xf32>
    %reduce_min3A_304 = vector.multi_reduction <minimumf>, %select_n3A_302, %reduce_min3A_303 [1] : vector<256x4096xf32> to vector<256xf32>
    %eq3A_305 = arith.constant 12 : i32
    %eq3A_306 = vector.broadcast %eq3A_305 : i32 to vector<16x256xi32>
    %eq3A_307 = arith.cmpi eq, %iota3A_20, %eq3A_306 : vector<16x256xi32>
    %broadcast_in_dim3A_308 = vector.shape_cast %reduce_min3A_304 : vector<256xf32> to vector<1x256xf32>
    %broadcast_in_dim3A_309 = vector.shape_cast %broadcast_in_dim3A_308 : vector<1x256xf32> to vector<1x256xf32>
    %broadcast_in_dim3A_310 = vector.broadcast %broadcast_in_dim3A_309 : vector<1x256xf32> to vector<16x256xf32>
    %select_n3A_311 = arith.select %eq3A_307, %broadcast_in_dim3A_310, %select_n3A_288 : vector<16x256xi1>, vector<16x256xf32>
    %broadcast_in_dim3A_312 = vector.shape_cast %reduce_min3A_304 : vector<256xf32> to vector<256x1xf32>
    %eq3A_313 = vector.broadcast %broadcast_in_dim3A_312 : vector<256x1xf32> to vector<256x4096xf32>
    %eq3A_314 = arith.cmpf oeq, %convert_element_type3A, %eq3A_313 : vector<256x4096xf32>
    %jit3A_315 = arith.constant 0x7F800000 : f32
    %broadcast_in_dim3A_316 = vector.broadcast %jit3A_315 : f32 to vector<256x4096xf32>
    %select_n3A_317 = arith.select %eq3A_314, %broadcast_in_dim3A_316, %select_n3A_294 : vector<256x4096xi1>, vector<256x4096xf32>
    %reduce_min3A_318 = arith.constant dense<0x7F800000> : vector<256xf32>
    %reduce_min3A_319 = vector.multi_reduction <minimumf>, %select_n3A_317, %reduce_min3A_318 [1] : vector<256x4096xf32> to vector<256xf32>
    %broadcast_in_dim3A_320 = vector.shape_cast %reduce_min3A_319 : vector<256xf32> to vector<256x1xf32>
    %eq3A_321 = vector.broadcast %broadcast_in_dim3A_320 : vector<256x1xf32> to vector<256x4096xf32>
    %eq3A_322 = arith.cmpf oeq, %select_n3A_317, %eq3A_321 : vector<256x4096xf32>
    %jit3A_323 = arith.constant 4.096000e+03 : f32
    %broadcast_in_dim3A_324 = vector.broadcast %jit3A_323 : f32 to vector<256x4096xf32>
    %select_n3A_325 = arith.select %eq3A_322, %convert_element_type3A, %broadcast_in_dim3A_324 : vector<256x4096xi1>, vector<256x4096xf32>
    %reduce_min3A_326 = arith.constant dense<0x7F800000> : vector<256xf32>
    %reduce_min3A_327 = vector.multi_reduction <minimumf>, %select_n3A_325, %reduce_min3A_326 [1] : vector<256x4096xf32> to vector<256xf32>
    %eq3A_328 = arith.constant 13 : i32
    %eq3A_329 = vector.broadcast %eq3A_328 : i32 to vector<16x256xi32>
    %eq3A_330 = arith.cmpi eq, %iota3A_20, %eq3A_329 : vector<16x256xi32>
    %broadcast_in_dim3A_331 = vector.shape_cast %reduce_min3A_327 : vector<256xf32> to vector<1x256xf32>
    %broadcast_in_dim3A_332 = vector.shape_cast %broadcast_in_dim3A_331 : vector<1x256xf32> to vector<1x256xf32>
    %broadcast_in_dim3A_333 = vector.broadcast %broadcast_in_dim3A_332 : vector<1x256xf32> to vector<16x256xf32>
    %select_n3A_334 = arith.select %eq3A_330, %broadcast_in_dim3A_333, %select_n3A_311 : vector<16x256xi1>, vector<16x256xf32>
    %broadcast_in_dim3A_335 = vector.shape_cast %reduce_min3A_327 : vector<256xf32> to vector<256x1xf32>
    %eq3A_336 = vector.broadcast %broadcast_in_dim3A_335 : vector<256x1xf32> to vector<256x4096xf32>
    %eq3A_337 = arith.cmpf oeq, %convert_element_type3A, %eq3A_336 : vector<256x4096xf32>
    %jit3A_338 = arith.constant 0x7F800000 : f32
    %broadcast_in_dim3A_339 = vector.broadcast %jit3A_338 : f32 to vector<256x4096xf32>
    %select_n3A_340 = arith.select %eq3A_337, %broadcast_in_dim3A_339, %select_n3A_317 : vector<256x4096xi1>, vector<256x4096xf32>
    %reduce_min3A_341 = arith.constant dense<0x7F800000> : vector<256xf32>
    %reduce_min3A_342 = vector.multi_reduction <minimumf>, %select_n3A_340, %reduce_min3A_341 [1] : vector<256x4096xf32> to vector<256xf32>
    %broadcast_in_dim3A_343 = vector.shape_cast %reduce_min3A_342 : vector<256xf32> to vector<256x1xf32>
    %eq3A_344 = vector.broadcast %broadcast_in_dim3A_343 : vector<256x1xf32> to vector<256x4096xf32>
    %eq3A_345 = arith.cmpf oeq, %select_n3A_340, %eq3A_344 : vector<256x4096xf32>
    %jit3A_346 = arith.constant 4.096000e+03 : f32
    %broadcast_in_dim3A_347 = vector.broadcast %jit3A_346 : f32 to vector<256x4096xf32>
    %select_n3A_348 = arith.select %eq3A_345, %convert_element_type3A, %broadcast_in_dim3A_347 : vector<256x4096xi1>, vector<256x4096xf32>
    %reduce_min3A_349 = arith.constant dense<0x7F800000> : vector<256xf32>
    %reduce_min3A_350 = vector.multi_reduction <minimumf>, %select_n3A_348, %reduce_min3A_349 [1] : vector<256x4096xf32> to vector<256xf32>
    %eq3A_351 = arith.constant 14 : i32
    %eq3A_352 = vector.broadcast %eq3A_351 : i32 to vector<16x256xi32>
    %eq3A_353 = arith.cmpi eq, %iota3A_20, %eq3A_352 : vector<16x256xi32>
    %broadcast_in_dim3A_354 = vector.shape_cast %reduce_min3A_350 : vector<256xf32> to vector<1x256xf32>
    %broadcast_in_dim3A_355 = vector.shape_cast %broadcast_in_dim3A_354 : vector<1x256xf32> to vector<1x256xf32>
    %broadcast_in_dim3A_356 = vector.broadcast %broadcast_in_dim3A_355 : vector<1x256xf32> to vector<16x256xf32>
    %select_n3A_357 = arith.select %eq3A_353, %broadcast_in_dim3A_356, %select_n3A_334 : vector<16x256xi1>, vector<16x256xf32>
    %broadcast_in_dim3A_358 = vector.shape_cast %reduce_min3A_350 : vector<256xf32> to vector<256x1xf32>
    %eq3A_359 = vector.broadcast %broadcast_in_dim3A_358 : vector<256x1xf32> to vector<256x4096xf32>
    %eq3A_360 = arith.cmpf oeq, %convert_element_type3A, %eq3A_359 : vector<256x4096xf32>
    %jit3A_361 = arith.constant 0x7F800000 : f32
    %broadcast_in_dim3A_362 = vector.broadcast %jit3A_361 : f32 to vector<256x4096xf32>
    %select_n3A_363 = arith.select %eq3A_360, %broadcast_in_dim3A_362, %select_n3A_340 : vector<256x4096xi1>, vector<256x4096xf32>
    %reduce_min3A_364 = arith.constant dense<0x7F800000> : vector<256xf32>
    %reduce_min3A_365 = vector.multi_reduction <minimumf>, %select_n3A_363, %reduce_min3A_364 [1] : vector<256x4096xf32> to vector<256xf32>
    %broadcast_in_dim3A_366 = vector.shape_cast %reduce_min3A_365 : vector<256xf32> to vector<256x1xf32>
    %eq3A_367 = vector.broadcast %broadcast_in_dim3A_366 : vector<256x1xf32> to vector<256x4096xf32>
    %eq3A_368 = arith.cmpf oeq, %select_n3A_363, %eq3A_367 : vector<256x4096xf32>
    %jit3A_369 = arith.constant 4.096000e+03 : f32
    %broadcast_in_dim3A_370 = vector.broadcast %jit3A_369 : f32 to vector<256x4096xf32>
    %select_n3A_371 = arith.select %eq3A_368, %convert_element_type3A, %broadcast_in_dim3A_370 : vector<256x4096xi1>, vector<256x4096xf32>
    %reduce_min3A_372 = arith.constant dense<0x7F800000> : vector<256xf32>
    %reduce_min3A_373 = vector.multi_reduction <minimumf>, %select_n3A_371, %reduce_min3A_372 [1] : vector<256x4096xf32> to vector<256xf32>
    %eq3A_374 = arith.constant 15 : i32
    %eq3A_375 = vector.broadcast %eq3A_374 : i32 to vector<16x256xi32>
    %eq3A_376 = arith.cmpi eq, %iota3A_20, %eq3A_375 : vector<16x256xi32>
    %broadcast_in_dim3A_377 = vector.shape_cast %reduce_min3A_373 : vector<256xf32> to vector<1x256xf32>
    %broadcast_in_dim3A_378 = vector.shape_cast %broadcast_in_dim3A_377 : vector<1x256xf32> to vector<1x256xf32>
    %broadcast_in_dim3A_379 = vector.broadcast %broadcast_in_dim3A_378 : vector<1x256xf32> to vector<16x256xf32>
    %select_n3A_380 = arith.select %eq3A_376, %broadcast_in_dim3A_379, %select_n3A_357 : vector<16x256xi1>, vector<16x256xf32>
    %convert_element_type3A_381 = arith.fptosi %select_n3A_380 : vector<16x256xf32> to vector<16x256xi32>
    %mul3A_382 = arith.constant 4096 : i32
    %mul3A_383 = arith.muli %arg0, %mul3A_382 : i32
    %add3A_384 = vector.broadcast %mul3A_383 : i32 to vector<16x256xi32>
    %add3A_385 = arith.addi %convert_element_type3A_381, %add3A_384 : vector<16x256xi32>
    %swap3A = arith.constant 0 : index
    %swap3A_386 = arith.constant 0 : index
    %swap3A_387 = arith.constant 0 : index
    %swap3A_388 = arith.constant 0 : index
    %swap3A_389 = vector.load %arg4[%swap3A, %swap3A_386, %swap3A_387, %swap3A_388] : memref<1x1x16x256xi32, #tpu.memory_space<vmem>>, vector<1x1x16x256xi32>
    %swap3A_390 = vector.shape_cast %swap3A_389 : vector<1x1x16x256xi32> to vector<16x256xi32>
    %swap3A_391 = vector.shape_cast %add3A_385 : vector<16x256xi32> to vector<1x1x16x256xi32>
    tpu.vector_store %arg4[%swap3A, %swap3A_386, %swap3A_387, %swap3A_388], %swap3A_391 {strides = array<i32>} : memref<1x1x16x256xi32, #tpu.memory_space<vmem>>, vector<1x1x16x256xi32>,
    return
  }
  func.func @transform_0(%arg0: i32, %arg1: i32) -> (i32, i32, i32) {
    %c0_i32 = arith.constant 0 : i32
    %c0_i32_0 = arith.constant 0 : i32
    return %arg0, %arg1, %c0_i32 : i32, i32, i32
  }
  func.func @transform_1(%arg0: i32, %arg1: i32) -> (i32, i32, i32) {
    %c0_i32 = arith.constant 0 : i32
    %c0_i32_0 = arith.constant 0 : i32
    %c0_i32_1 = arith.constant 0 : i32
    return %arg0, %c0_i32, %c0_i32_0 : i32, i32, i32
  }
  func.func @transform_2(%arg0: i32, %arg1: i32) -> (i32, i32, i32, i32) {
    %c0_i32 = arith.constant 0 : i32
    %c0_i32_0 = arith.constant 0 : i32
    %c0_i32_1 = arith.constant 0 : i32
    return %arg0, %arg1, %c0_i32, %c0_i32_0 : i32, i32, i32, i32
  }
}

module attributes {stable_mosaic.version = 14 : i64} {
  func.func @_attn_body(%arg0: i32, %arg1: i32, %arg2: memref<1x256x32xf32, #tpu.memory_space<vmem>>, %arg3: memref<1x1x4096x32xf32, #tpu.memory_space<vmem>>, %arg4: memref<1x1x4096x8xf32, #tpu.memory_space<vmem>>, %arg5: memref<1x256x8xf32, #tpu.memory_space<vmem>>, %arg6: memref<32x64xf32, #tpu.memory_space<vmem>>, %arg7: memref<1x64xf32, #tpu.memory_space<vmem>>, %arg8: memref<64x32xf32, #tpu.memory_space<vmem>>, %arg9: memref<1x32xf32, #tpu.memory_space<vmem>>, %arg10: memref<8x64xf32, #tpu.memory_space<vmem>>, %arg11: memref<1x64xf32, #tpu.memory_space<vmem>>, %arg12: memref<64x64xf32, #tpu.memory_space<vmem>>, %arg13: memref<1x64xf32, #tpu.memory_space<vmem>>, %arg14: memref<64x64xf32, #tpu.memory_space<vmem>>, %arg15: memref<1x64xf32, #tpu.memory_space<vmem>>, %arg16: memref<64x64xf32, #tpu.memory_space<vmem>>, %arg17: memref<1x64xf32, #tpu.memory_space<vmem>>, %arg18: memref<64x64xf32, #tpu.memory_space<vmem>>, %arg19: memref<64x64xf32, #tpu.memory_space<vmem>>, %arg20: memref<64x64xf32, #tpu.memory_space<vmem>>, %arg21: memref<1x256x32xf32, #tpu.memory_space<vmem>>, %arg22: memref<1x1x4096x64xf32, #tpu.memory_space<vmem>>) attributes {dimension_semantics = [#tpu.dimension_semantics<arbitrary>, #tpu.dimension_semantics<arbitrary>], iteration_bounds = array<i64: 4, 16>, scalar_prefetch = 0 : i64, scratch_operands = 0 : i64, tpu.core_type = #tpu.core_type<tc>, window_params = [{transform_indices = @transform_0, window_bounds = array<i64: 1, 256, 32>}, {transform_indices = @transform_1, window_bounds = array<i64: 1, 1, 4096, 32>}, {transform_indices = @transform_2, window_bounds = array<i64: 1, 1, 4096, 8>}, {transform_indices = @transform_3, window_bounds = array<i64: 1, 256, 8>}, {pipeline_mode = #tpu.pipeline_mode<synchronous>, transform_indices = @transform_4, window_bounds = array<i64: 32, 64>}, {pipeline_mode = #tpu.pipeline_mode<synchronous>, transform_indices = @transform_5, window_bounds = array<i64: 1, 64>}, {pipeline_mode = #tpu.pipeline_mode<synchronous>, transform_indices = @transform_6, window_bounds = array<i64: 64, 32>}, {pipeline_mode = #tpu.pipeline_mode<synchronous>, transform_indices = @transform_7, window_bounds = array<i64: 1, 32>}, {pipeline_mode = #tpu.pipeline_mode<synchronous>, transform_indices = @transform_8, window_bounds = array<i64: 8, 64>}, {pipeline_mode = #tpu.pipeline_mode<synchronous>, transform_indices = @transform_9, window_bounds = array<i64: 1, 64>}, {pipeline_mode = #tpu.pipeline_mode<synchronous>, transform_indices = @transform_10, window_bounds = array<i64: 64, 64>}, {pipeline_mode = #tpu.pipeline_mode<synchronous>, transform_indices = @transform_11, window_bounds = array<i64: 1, 64>}, {pipeline_mode = #tpu.pipeline_mode<synchronous>, transform_indices = @transform_12, window_bounds = array<i64: 64, 64>}, {pipeline_mode = #tpu.pipeline_mode<synchronous>, transform_indices = @transform_13, window_bounds = array<i64: 1, 64>}, {pipeline_mode = #tpu.pipeline_mode<synchronous>, transform_indices = @transform_14, window_bounds = array<i64: 64, 64>}, {pipeline_mode = #tpu.pipeline_mode<synchronous>, transform_indices = @transform_15, window_bounds = array<i64: 1, 64>}, {pipeline_mode = #tpu.pipeline_mode<synchronous>, transform_indices = @transform_16, window_bounds = array<i64: 64, 64>}, {pipeline_mode = #tpu.pipeline_mode<synchronous>, transform_indices = @transform_17, window_bounds = array<i64: 64, 64>}, {pipeline_mode = #tpu.pipeline_mode<synchronous>, transform_indices = @transform_18, window_bounds = array<i64: 64, 64>}, {transform_indices = @transform_19, window_bounds = array<i64: 1, 256, 32>}, {transform_indices = @transform_20, window_bounds = array<i64: 1, 1, 4096, 64>}]} {
    %get3A = arith.constant 0 : index
    %get3A_0 = arith.constant 0 : index
    %get3A_1 = arith.constant 0 : index
    %get3A_2 = vector.load %arg2[%get3A, %get3A_0, %get3A_1] : memref<1x256x32xf32, #tpu.memory_space<vmem>>, vector<1x256x32xf32>
    %get3A_3 = vector.shape_cast %get3A_2 : vector<1x256x32xf32> to vector<256x32xf32>
    %get3A_4 = arith.constant 0 : index
    %get3A_5 = arith.constant 0 : index
    %get3A_6 = arith.constant 0 : index
    %get3A_7 = arith.constant 0 : index
    %get3A_8 = vector.load %arg3[%get3A_4, %get3A_5, %get3A_6, %get3A_7] : memref<1x1x4096x32xf32, #tpu.memory_space<vmem>>, vector<1x1x4096x32xf32>
    %get3A_9 = vector.shape_cast %get3A_8 : vector<1x1x4096x32xf32> to vector<4096x32xf32>
    %get3A_10 = arith.constant 0 : index
    %get3A_11 = arith.constant 0 : index
    %get3A_12 = arith.constant 0 : index
    %get3A_13 = arith.constant 0 : index
    %get3A_14 = vector.load %arg4[%get3A_10, %get3A_11, %get3A_12, %get3A_13] : memref<1x1x4096x8xf32, #tpu.memory_space<vmem>>, vector<1x1x4096x8xf32>
    %get3A_15 = vector.shape_cast %get3A_14 : vector<1x1x4096x8xf32> to vector<4096x8xf32>
    %get3A_16 = arith.constant 0 : index
    %get3A_17 = arith.constant 0 : index
    %get3A_18 = arith.constant 0 : index
    %get3A_19 = vector.load %arg5[%get3A_16, %get3A_17, %get3A_18] : memref<1x256x8xf32, #tpu.memory_space<vmem>>, vector<1x256x8xf32>
    %get3A_20 = vector.shape_cast %get3A_19 : vector<1x256x8xf32> to vector<256x8xf32>
    %broadcast_in_dim3A = vector.shape_cast %get3A_20 : vector<256x8xf32> to vector<1x256x8xf32>
    %broadcast_in_dim3A_21 = arith.constant 0.000000e+00 : f32
    %broadcast_in_dim3A_22 = vector.broadcast %broadcast_in_dim3A_21 : f32 to vector<16x256x8xf32>
    %add3A = vector.broadcast %broadcast_in_dim3A : vector<1x256x8xf32> to vector<16x256x8xf32>
    %add3A_23 = arith.addf %add3A, %broadcast_in_dim3A_22 : vector<16x256x8xf32>
    %reshape3A = vector.shape_cast %add3A_23 : vector<16x256x8xf32> to vector<4096x8xf32>
    %get3A_24 = arith.constant 0 : index
    %get3A_25 = arith.constant 0 : index
    %get3A_26 = vector.load %arg6[%get3A_24, %get3A_25] : memref<32x64xf32, #tpu.memory_space<vmem>>, vector<32x64xf32>
    %get3A_27 = arith.constant 0 : index
    %get3A_28 = arith.constant 0 : index
    %get3A_29 = vector.load %arg7[%get3A_27, %get3A_28] : memref<1x64xf32, #tpu.memory_space<vmem>>, vector<1x64xf32>
    %dot_general3A = arith.constant dense<0.000000e+00> : vector<256x64xf32>
    %dot_general3A_30 = tpu.matmul %get3A_3, %get3A_26, %dot_general3A {dimension_numbers = #tpu.dot_dimension_numbers<[1], [0], [0], [1], [0, 0, 1, 1], [], []>, transpose_lhs_hint = false} : vector<256x32xf32>, vector<32x64xf32>, vector<256x64xf32> -> vector<256x64xf32>
    %add3A_31 = vector.broadcast %get3A_29 : vector<1x64xf32> to vector<256x64xf32>
    %add3A_32 = arith.addf %dot_general3A_30, %add3A_31 : vector<256x64xf32>
    %get3A_33 = arith.constant 0 : index
    %get3A_34 = arith.constant 0 : index
    %get3A_35 = vector.load %arg18[%get3A_33, %get3A_34] : memref<64x64xf32, #tpu.memory_space<vmem>>, vector<64x64xf32>
    %dot_general3A_36 = arith.constant dense<0.000000e+00> : vector<256x64xf32>
    %dot_general3A_37 = tpu.matmul %add3A_32, %get3A_35, %dot_general3A_36 {dimension_numbers = #tpu.dot_dimension_numbers<[1], [0], [0], [1], [0, 0, 1, 1], [], []>, transpose_lhs_hint = false} : vector<256x64xf32>, vector<64x64xf32>, vector<256x64xf32> -> vector<256x64xf32>
    %dot_general3A_38 = arith.constant dense<0.000000e+00> : vector<4096x64xf32>
    %dot_general3A_39 = tpu.matmul %get3A_9, %get3A_26, %dot_general3A_38 {dimension_numbers = #tpu.dot_dimension_numbers<[1], [0], [0], [1], [0, 0, 1, 1], [], []>, transpose_lhs_hint = false} : vector<4096x32xf32>, vector<32x64xf32>, vector<4096x64xf32> -> vector<4096x64xf32>
    %add3A_40 = vector.broadcast %get3A_29 : vector<1x64xf32> to vector<4096x64xf32>
    %add3A_41 = arith.addf %dot_general3A_39, %add3A_40 : vector<4096x64xf32>
    %get3A_42 = arith.constant 0 : index
    %get3A_43 = arith.constant 0 : index
    %get3A_44 = vector.load %arg19[%get3A_42, %get3A_43] : memref<64x64xf32, #tpu.memory_space<vmem>>, vector<64x64xf32>
    %dot_general3A_45 = arith.constant dense<0.000000e+00> : vector<4096x64xf32>
    %dot_general3A_46 = tpu.matmul %add3A_41, %get3A_44, %dot_general3A_45 {dimension_numbers = #tpu.dot_dimension_numbers<[1], [0], [0], [1], [0, 0, 1, 1], [], []>, transpose_lhs_hint = false} : vector<4096x64xf32>, vector<64x64xf32>, vector<4096x64xf32> -> vector<4096x64xf32>
    %get3A_47 = arith.constant 0 : index
    %get3A_48 = arith.constant 0 : index
    %get3A_49 = vector.load %arg20[%get3A_47, %get3A_48] : memref<64x64xf32, #tpu.memory_space<vmem>>, vector<64x64xf32>
    %dot_general3A_50 = arith.constant dense<0.000000e+00> : vector<4096x64xf32>
    %dot_general3A_51 = tpu.matmul %add3A_41, %get3A_49, %dot_general3A_50 {dimension_numbers = #tpu.dot_dimension_numbers<[1], [0], [0], [1], [0, 0, 1, 1], [], []>, transpose_lhs_hint = false} : vector<4096x64xf32>, vector<64x64xf32>, vector<4096x64xf32> -> vector<4096x64xf32>
    %sub3A = arith.subf %reshape3A, %get3A_15 : vector<4096x8xf32>
    %get3A_52 = arith.constant 0 : index
    %get3A_53 = arith.constant 0 : index
    %get3A_54 = vector.load %arg10[%get3A_52, %get3A_53] : memref<8x64xf32, #tpu.memory_space<vmem>>, vector<8x64xf32>
    %dot_general3A_55 = arith.constant dense<0.000000e+00> : vector<4096x64xf32>
    %dot_general3A_56 = tpu.matmul %sub3A, %get3A_54, %dot_general3A_55 {dimension_numbers = #tpu.dot_dimension_numbers<[1], [0], [0], [1], [0, 0, 1, 1], [], []>, transpose_lhs_hint = false} : vector<4096x8xf32>, vector<8x64xf32>, vector<4096x64xf32> -> vector<4096x64xf32>
    %get3A_57 = arith.constant 0 : index
    %get3A_58 = arith.constant 0 : index
    %get3A_59 = vector.load %arg11[%get3A_57, %get3A_58] : memref<1x64xf32, #tpu.memory_space<vmem>>, vector<1x64xf32>
    %add3A_60 = vector.broadcast %get3A_59 : vector<1x64xf32> to vector<4096x64xf32>
    %add3A_61 = arith.addf %dot_general3A_56, %add3A_60 : vector<4096x64xf32>
    %max3A = arith.constant 0.000000e+00 : f32
    %max3A_62 = vector.broadcast %max3A : f32 to vector<4096x64xf32>
    %max3A_63 = arith.maximumf %add3A_61, %max3A_62 : vector<4096x64xf32>
    %get3A_64 = arith.constant 0 : index
    %get3A_65 = arith.constant 0 : index
    %get3A_66 = vector.load %arg12[%get3A_64, %get3A_65] : memref<64x64xf32, #tpu.memory_space<vmem>>, vector<64x64xf32>
    %dot_general3A_67 = arith.constant dense<0.000000e+00> : vector<4096x64xf32>
    %dot_general3A_68 = tpu.matmul %max3A_63, %get3A_66, %dot_general3A_67 {dimension_numbers = #tpu.dot_dimension_numbers<[1], [0], [0], [1], [0, 0, 1, 1], [], []>, transpose_lhs_hint = false} : vector<4096x64xf32>, vector<64x64xf32>, vector<4096x64xf32> -> vector<4096x64xf32>
    %get3A_69 = arith.constant 0 : index
    %get3A_70 = arith.constant 0 : index
    %get3A_71 = vector.load %arg13[%get3A_69, %get3A_70] : memref<1x64xf32, #tpu.memory_space<vmem>>, vector<1x64xf32>
    %add3A_72 = vector.broadcast %get3A_71 : vector<1x64xf32> to vector<4096x64xf32>
    %add3A_73 = arith.addf %dot_general3A_68, %add3A_72 : vector<4096x64xf32>
    %sub3A_74 = arith.subf %add3A_73, %dot_general3A_46 : vector<4096x64xf32>
    %broadcast_in_dim3A_75 = vector.shape_cast %dot_general3A_37 : vector<256x64xf32> to vector<1x256x64xf32>
    %reshape3A_76 = vector.shape_cast %sub3A_74 : vector<4096x64xf32> to vector<16x256x64xf32>
    %add3A_77 = vector.broadcast %broadcast_in_dim3A_75 : vector<1x256x64xf32> to vector<16x256x64xf32>
    %add3A_78 = arith.addf %add3A_77, %reshape3A_76 : vector<16x256x64xf32>
    %reshape3A_79 = vector.shape_cast %add3A_78 : vector<16x256x64xf32> to vector<4096x64xf32>
    %get3A_80 = arith.constant 0 : index
    %get3A_81 = arith.constant 0 : index
    %get3A_82 = vector.load %arg14[%get3A_80, %get3A_81] : memref<64x64xf32, #tpu.memory_space<vmem>>, vector<64x64xf32>
    %dot_general3A_83 = arith.constant dense<0.000000e+00> : vector<4096x64xf32>
    %dot_general3A_84 = tpu.matmul %reshape3A_79, %get3A_82, %dot_general3A_83 {dimension_numbers = #tpu.dot_dimension_numbers<[1], [0], [0], [1], [0, 0, 1, 1], [], []>, transpose_lhs_hint = false} : vector<4096x64xf32>, vector<64x64xf32>, vector<4096x64xf32> -> vector<4096x64xf32>
    %get3A_85 = arith.constant 0 : index
    %get3A_86 = arith.constant 0 : index
    %get3A_87 = vector.load %arg15[%get3A_85, %get3A_86] : memref<1x64xf32, #tpu.memory_space<vmem>>, vector<1x64xf32>
    %add3A_88 = vector.broadcast %get3A_87 : vector<1x64xf32> to vector<4096x64xf32>
    %add3A_89 = arith.addf %dot_general3A_84, %add3A_88 : vector<4096x64xf32>
    %max3A_90 = arith.constant 0.000000e+00 : f32
    %max3A_91 = vector.broadcast %max3A_90 : f32 to vector<4096x64xf32>
    %max3A_92 = arith.maximumf %add3A_89, %max3A_91 : vector<4096x64xf32>
    %get3A_93 = arith.constant 0 : index
    %get3A_94 = arith.constant 0 : index
    %get3A_95 = vector.load %arg16[%get3A_93, %get3A_94] : memref<64x64xf32, #tpu.memory_space<vmem>>, vector<64x64xf32>
    %dot_general3A_96 = arith.constant dense<0.000000e+00> : vector<4096x64xf32>
    %dot_general3A_97 = tpu.matmul %max3A_92, %get3A_95, %dot_general3A_96 {dimension_numbers = #tpu.dot_dimension_numbers<[1], [0], [0], [1], [0, 0, 1, 1], [], []>, transpose_lhs_hint = false} : vector<4096x64xf32>, vector<64x64xf32>, vector<4096x64xf32> -> vector<4096x64xf32>
    %get3A_98 = arith.constant 0 : index
    %get3A_99 = arith.constant 0 : index
    %get3A_100 = vector.load %arg17[%get3A_98, %get3A_99] : memref<1x64xf32, #tpu.memory_space<vmem>>, vector<1x64xf32>
    %add3A_101 = vector.broadcast %get3A_100 : vector<1x64xf32> to vector<4096x64xf32>
    %add3A_102 = arith.addf %dot_general3A_97, %add3A_101 : vector<4096x64xf32>
    %mul3A = arith.constant 1.250000e-01 : f32
    %mul3A_103 = vector.broadcast %mul3A : f32 to vector<4096x64xf32>
    %mul3A_104 = arith.mulf %add3A_102, %mul3A_103 : vector<4096x64xf32>
    %reshape3A_105 = vector.shape_cast %mul3A_104 : vector<4096x64xf32> to vector<16x256x64xf32>
    %reduce_max3A = arith.constant dense<0xFF800000> : vector<256x64xf32>
    %reduce_max3A_106 = vector.multi_reduction <maximumf>, %reshape3A_105, %reduce_max3A [0] : vector<16x256x64xf32> to vector<256x64xf32>
    %broadcast_in_dim3A_107 = vector.shape_cast %reduce_max3A_106 : vector<256x64xf32> to vector<1x256x64xf32>
    %sub3A_108 = vector.broadcast %broadcast_in_dim3A_107 : vector<1x256x64xf32> to vector<16x256x64xf32>
    %sub3A_109 = arith.subf %reshape3A_105, %sub3A_108 : vector<16x256x64xf32>
    %exp3A = math.exp %sub3A_109 : vector<16x256x64xf32>
    %reduce_sum3A = arith.constant dense<0.000000e+00> : vector<256x64xf32>
    %reduce_sum3A_110 = vector.multi_reduction <add>, %exp3A, %reduce_sum3A [0] : vector<16x256x64xf32> to vector<256x64xf32>
    %broadcast_in_dim3A_111 = vector.shape_cast %reduce_sum3A_110 : vector<256x64xf32> to vector<1x256x64xf32>
    %div3A = vector.broadcast %broadcast_in_dim3A_111 : vector<1x256x64xf32> to vector<16x256x64xf32>
    %div3A_112 = arith.divf %exp3A, %div3A : vector<16x256x64xf32>
    %add3A_113 = arith.addf %dot_general3A_51, %add3A_73 : vector<4096x64xf32>
    %reshape3A_114 = vector.shape_cast %add3A_113 : vector<4096x64xf32> to vector<16x256x64xf32>
    %mul3A_115 = arith.mulf %div3A_112, %reshape3A_114 : vector<16x256x64xf32>
    %reduce_sum3A_116 = arith.constant dense<0.000000e+00> : vector<256x64xf32>
    %reduce_sum3A_117 = vector.multi_reduction <add>, %mul3A_115, %reduce_sum3A_116 [0] : vector<16x256x64xf32> to vector<256x64xf32>
    %get3A_118 = arith.constant 0 : index
    %get3A_119 = arith.constant 0 : index
    %get3A_120 = vector.load %arg8[%get3A_118, %get3A_119] : memref<64x32xf32, #tpu.memory_space<vmem>>, vector<64x32xf32>
    %dot_general3A_121 = arith.constant dense<0.000000e+00> : vector<256x32xf32>
    %dot_general3A_122 = tpu.matmul %reduce_sum3A_117, %get3A_120, %dot_general3A_121 {dimension_numbers = #tpu.dot_dimension_numbers<[1], [0], [0], [1], [0, 0, 1, 1], [], []>, transpose_lhs_hint = false} : vector<256x64xf32>, vector<64x32xf32>, vector<256x32xf32> -> vector<256x32xf32>
    %get3A_123 = arith.constant 0 : index
    %get3A_124 = arith.constant 0 : index
    %get3A_125 = vector.load %arg9[%get3A_123, %get3A_124] : memref<1x32xf32, #tpu.memory_space<vmem>>, vector<1x32xf32>
    %add3A_126 = vector.broadcast %get3A_125 : vector<1x32xf32> to vector<256x32xf32>
    %add3A_127 = arith.addf %dot_general3A_122, %add3A_126 : vector<256x32xf32>
    %add3A_128 = arith.addf %add3A_127, %get3A_3 : vector<256x32xf32>
    %swap3A = arith.constant 0 : index
    %swap3A_129 = arith.constant 0 : index
    %swap3A_130 = arith.constant 0 : index
    %swap3A_131 = vector.load %arg21[%swap3A, %swap3A_129, %swap3A_130] : memref<1x256x32xf32, #tpu.memory_space<vmem>>, vector<1x256x32xf32>
    %swap3A_132 = vector.shape_cast %swap3A_131 : vector<1x256x32xf32> to vector<256x32xf32>
    %swap3A_133 = vector.shape_cast %add3A_128 : vector<256x32xf32> to vector<1x256x32xf32>
    tpu.vector_store %arg21[%swap3A, %swap3A_129, %swap3A_130], %swap3A_133 {strides = array<i32>} : memref<1x256x32xf32, #tpu.memory_space<vmem>>, vector<1x256x32xf32>,
    %reshape3A_134 = vector.shape_cast %div3A_112 : vector<16x256x64xf32> to vector<4096x64xf32>
    %swap3A_135 = arith.constant 0 : index
    %swap3A_136 = arith.constant 0 : index
    %swap3A_137 = arith.constant 0 : index
    %swap3A_138 = arith.constant 0 : index
    %swap3A_139 = vector.load %arg22[%swap3A_135, %swap3A_136, %swap3A_137, %swap3A_138] : memref<1x1x4096x64xf32, #tpu.memory_space<vmem>>, vector<1x1x4096x64xf32>
    %swap3A_140 = vector.shape_cast %swap3A_139 : vector<1x1x4096x64xf32> to vector<4096x64xf32>
    %swap3A_141 = vector.shape_cast %reshape3A_134 : vector<4096x64xf32> to vector<1x1x4096x64xf32>
    tpu.vector_store %arg22[%swap3A_135, %swap3A_136, %swap3A_137, %swap3A_138], %swap3A_141 {strides = array<i32>} : memref<1x1x4096x64xf32, #tpu.memory_space<vmem>>, vector<1x1x4096x64xf32>,
    return
  }
  func.func @transform_0(%arg0: i32, %arg1: i32) -> (i32, i32, i32) {
    %c0_i32 = arith.constant 0 : i32
    %c0_i32_0 = arith.constant 0 : i32
    return %arg0, %arg1, %c0_i32 : i32, i32, i32
  }
  func.func @transform_1(%arg0: i32, %arg1: i32) -> (i32, i32, i32, i32) {
    %c0_i32 = arith.constant 0 : i32
    %c0_i32_0 = arith.constant 0 : i32
    %c0_i32_1 = arith.constant 0 : i32
    return %arg0, %arg1, %c0_i32, %c0_i32_0 : i32, i32, i32, i32
  }
  func.func @transform_2(%arg0: i32, %arg1: i32) -> (i32, i32, i32, i32) {
    %c0_i32 = arith.constant 0 : i32
    %c0_i32_0 = arith.constant 0 : i32
    %c0_i32_1 = arith.constant 0 : i32
    return %arg0, %arg1, %c0_i32, %c0_i32_0 : i32, i32, i32, i32
  }
  func.func @transform_3(%arg0: i32, %arg1: i32) -> (i32, i32, i32) {
    %c0_i32 = arith.constant 0 : i32
    %c0_i32_0 = arith.constant 0 : i32
    return %arg0, %arg1, %c0_i32 : i32, i32, i32
  }
  func.func @transform_4(%arg0: i32, %arg1: i32) -> (i32, i32) {
    %c0_i32 = arith.constant 0 : i32
    %c0_i32_0 = arith.constant 0 : i32
    %c0_i32_1 = arith.constant 0 : i32
    return %c0_i32, %c0_i32_0 : i32, i32
  }
  func.func @transform_5(%arg0: i32, %arg1: i32) -> (i32, i32) {
    %c0_i32 = arith.constant 0 : i32
    %c0_i32_0 = arith.constant 0 : i32
    %c0_i32_1 = arith.constant 0 : i32
    return %c0_i32, %c0_i32_0 : i32, i32
  }
  func.func @transform_6(%arg0: i32, %arg1: i32) -> (i32, i32) {
    %c0_i32 = arith.constant 0 : i32
    %c0_i32_0 = arith.constant 0 : i32
    %c0_i32_1 = arith.constant 0 : i32
    return %c0_i32, %c0_i32_0 : i32, i32
  }
  func.func @transform_7(%arg0: i32, %arg1: i32) -> (i32, i32) {
    %c0_i32 = arith.constant 0 : i32
    %c0_i32_0 = arith.constant 0 : i32
    %c0_i32_1 = arith.constant 0 : i32
    return %c0_i32, %c0_i32_0 : i32, i32
  }
  func.func @transform_8(%arg0: i32, %arg1: i32) -> (i32, i32) {
    %c0_i32 = arith.constant 0 : i32
    %c0_i32_0 = arith.constant 0 : i32
    %c0_i32_1 = arith.constant 0 : i32
    return %c0_i32, %c0_i32_0 : i32, i32
  }
  func.func @transform_9(%arg0: i32, %arg1: i32) -> (i32, i32) {
    %c0_i32 = arith.constant 0 : i32
    %c0_i32_0 = arith.constant 0 : i32
    %c0_i32_1 = arith.constant 0 : i32
    return %c0_i32, %c0_i32_0 : i32, i32
  }
  func.func @transform_10(%arg0: i32, %arg1: i32) -> (i32, i32) {
    %c0_i32 = arith.constant 0 : i32
    %c0_i32_0 = arith.constant 0 : i32
    %c0_i32_1 = arith.constant 0 : i32
    return %c0_i32, %c0_i32_0 : i32, i32
  }
  func.func @transform_11(%arg0: i32, %arg1: i32) -> (i32, i32) {
    %c0_i32 = arith.constant 0 : i32
    %c0_i32_0 = arith.constant 0 : i32
    %c0_i32_1 = arith.constant 0 : i32
    return %c0_i32, %c0_i32_0 : i32, i32
  }
  func.func @transform_12(%arg0: i32, %arg1: i32) -> (i32, i32) {
    %c0_i32 = arith.constant 0 : i32
    %c0_i32_0 = arith.constant 0 : i32
    %c0_i32_1 = arith.constant 0 : i32
    return %c0_i32, %c0_i32_0 : i32, i32
  }
  func.func @transform_13(%arg0: i32, %arg1: i32) -> (i32, i32) {
    %c0_i32 = arith.constant 0 : i32
    %c0_i32_0 = arith.constant 0 : i32
    %c0_i32_1 = arith.constant 0 : i32
    return %c0_i32, %c0_i32_0 : i32, i32
  }
  func.func @transform_14(%arg0: i32, %arg1: i32) -> (i32, i32) {
    %c0_i32 = arith.constant 0 : i32
    %c0_i32_0 = arith.constant 0 : i32
    %c0_i32_1 = arith.constant 0 : i32
    return %c0_i32, %c0_i32_0 : i32, i32
  }
  func.func @transform_15(%arg0: i32, %arg1: i32) -> (i32, i32) {
    %c0_i32 = arith.constant 0 : i32
    %c0_i32_0 = arith.constant 0 : i32
    %c0_i32_1 = arith.constant 0 : i32
    return %c0_i32, %c0_i32_0 : i32, i32
  }
  func.func @transform_16(%arg0: i32, %arg1: i32) -> (i32, i32) {
    %c0_i32 = arith.constant 0 : i32
    %c0_i32_0 = arith.constant 0 : i32
    %c0_i32_1 = arith.constant 0 : i32
    return %c0_i32, %c0_i32_0 : i32, i32
  }
  func.func @transform_17(%arg0: i32, %arg1: i32) -> (i32, i32) {
    %c0_i32 = arith.constant 0 : i32
    %c0_i32_0 = arith.constant 0 : i32
    %c0_i32_1 = arith.constant 0 : i32
    return %c0_i32, %c0_i32_0 : i32, i32
  }
  func.func @transform_18(%arg0: i32, %arg1: i32) -> (i32, i32) {
    %c0_i32 = arith.constant 0 : i32
    %c0_i32_0 = arith.constant 0 : i32
    %c0_i32_1 = arith.constant 0 : i32
    return %c0_i32, %c0_i32_0 : i32, i32
  }
  func.func @transform_19(%arg0: i32, %arg1: i32) -> (i32, i32, i32) {
    %c0_i32 = arith.constant 0 : i32
    %c0_i32_0 = arith.constant 0 : i32
    return %arg0, %arg1, %c0_i32 : i32, i32, i32
  }
  func.func @transform_20(%arg0: i32, %arg1: i32) -> (i32, i32, i32, i32) {
    %c0_i32 = arith.constant 0 : i32
    %c0_i32_0 = arith.constant 0 : i32
    %c0_i32_1 = arith.constant 0 : i32
    return %arg0, %arg1, %c0_i32, %c0_i32_0 : i32, i32, i32, i32
  }
}

</mosaic_0001>

<sc_bundles>
// kernel: kernel.5.cloned.1.call-start
scs
__scs_entry_jumppad:
0x0: {  	(pc) =	sbr.rel $0x88, $3  }
0x1: {  	(tag) =	ssettag $0x0;
	lr =	simm.s32 $0x1  }
0x2: {  	[smem:$0x3F90] =	sst lr;
	_ =	strace $0xD0000000  }
0x3: {  	_ = 	snop  }
0x4: {  	_ = 	snop  }
0x5: {  	_ = 	snop  }
0x6: {  	_ = 	snop  }
0x7: {  	_ = 	snop  }
__scs_overlays_trampoline_lowered:
0x8: {  	[smem:$0x3F9F] =	sst s0  }
0x9: {  	[smem:$0x3FA0] =	sst s1  }
0xa: {  	[smem:$0x3FA1] =	sst s2  }
0xb: {  	[smem:$0x3FA2] =	sst s3  }
0xc: {  	[smem:$0x3FA3] =	sst s4  }
0xd: {  	[smem:$0x3FA4] =	sst s5  }
0xe: {  	[smem:$0x3FA5] =	sst s6  }
0xf: {  	[smem:$0x3FA6] =	sst s7  }
0x10: {  	[smem:$0x3FA7] =	sst s8  }
0x11: {  	[smem:$0x3FA8] =	sst s9;
	s0 =	simm.s32 @!p0 $0x0  }
0x12: {  	s1 =	sld [smem:$0x3F8E];
	s0 =	simm.s32 @p0 $0x1  }
0x13: {  	[smem:$0x3FA9] =	sst s0;
	s0 =	simm.s32 @!p1 $0x0  }
0x14: {  	s2 =	sld [smem:$0x3F8D];
	s0 =	simm.s32 @p1 $0x1  }
0x15: {  	[smem:$0x3FAA] =	sst s0;
	s0 =	simm.s32 @!p2 $0x0  }
0x16: {  	s3 =	sld [smem:$0x3FDB];
	s0 =	simm.s32 @p2 $0x1  }
0x17: {  	s4 =	simm.s32 $0x1BF5;
	[smem:$0x3FAC] =	sst s0  }
0x18: {  	s0 =	sld [smem:$0x3F8F];
	_ =	swait.ge [sflag:s4], $0x0  }
0x19: {  	s7 =	sld [smem:$0x3F90]  }
0x1a: {  	s8 =	sadd.s32 $0xFFFFE003, lr  }
0x1b: {  	s9 =	sadd.s32 $0xFFFFFEF7, lr;
	s5 =	simm.s32 $0xFFFFFFFF;
	p2 =	slt.u32 s8, $0xFFFFF086  }
0x1c: {  	p1 =	slt.u32 s9, $0xF7A;
	s5 =	simm.s32 @!p2 $0x0  }
0x1d: {  	s5 =	simm.s32 @p1 $0x1;
	p0 =	seq.s32 s7, s2  }
0x1e: {  	s7 =	smul.u32 @!p0 $0xF7A, s2;
	p2 =	seq.s32 @!p0 s5, $0x0  }
0x1f: {  	s9 =	smul.u32 $0xF7A, s1;
	s8 =	simm.s32 @!p0 $0x1BF5;
	p2 =	por !p2, p0  }
0x20: {  	[sflag:s8] =	ssyncset.s32 @!p0 $0xFFFFF086;
	s6 =	sadd.s32 @!p0 s3, s7;
	s7 =	simm.s32 @!p0 $0x108  }
0x21: {  	s3 =	sadd.s32 s3, s9;
	s6 =	sadd.s32 @!p0 $0x88, s6;
	s7 =	simm.s32 @p2 $0x1082  }
0x22: {  	[simem:s7], [sflag:s8] =	dma.local @!p0 [hbm:s6], $0xF7A  }
0x23: {  	s9 =	sor.u32 $0xD0000000, s2;
	s6 =	simm.s32 $0x108;
	_ =	swait.ge @!p0 [sflag:s8], $0x0  }
0x24: {  	s3 =	sadd.s32 $0x88, s3;
	s6 =	simm.s32 @!p1 $0x1082;
	[sflag:s4] =	ssyncset.s32 $0xFFFFF086  }
0x25: {  	[simem:s6], [sflag:s4] =	dma.local [hbm:s3], $0xF7A  }
0x26: {  	[smem:$0x3F90] =	sst s1;
	(tag) =	ssettag s2;
	_ =	strace s9  }
0x27: {  	s1 =	sld [smem:$0x3FA0]  }
0x28: {  	s2 =	sld [smem:$0x3FA1]  }
0x29: {  	s4 =	sld [smem:$0x3FA3]  }
0x2a: {  	p0 =	seq.s32 s5, $0x0;
	s5 =	sld [smem:$0x3FA4]  }
0x2b: {  	s6 =	sld [smem:$0x3FA5]  }
0x2c: {  	s7 =	sld [smem:$0x3FA6]  }
0x2d: {  	s3 =	simm.s32 $0x108;
	s8 =	sld [smem:$0x3FA7]  }
0x2e: {  	s3 =	simm.s32 @!p0 $0x1082;
	s9 =	sld [smem:$0x3FA8]  }
0x2f: {  	lr =	sadd.s32 s0, s3;
	s0 =	sld [smem:$0x3F9F]  }
0x30: {  	s3 =	sld [smem:$0x3FA2]  }
0x31: {  	[smem:$0x3FAB] =	sst s10  }
0x32: {  	s10 =	sld [smem:$0x3FA9];
	_ =	sdelay $0x3  }
0x33: {  	p0 =	seq.s32 s10, $0x1;
	s10 =	sld [smem:$0x3FAB];
	_ =	sdelay $0x3  }
0x34: {  	[smem:$0x3FAB] =	sst s10  }
0x35: {  	s10 =	sld [smem:$0x3FAA];
	_ =	sdelay $0x3  }
0x36: {  	p1 =	seq.s32 s10, $0x1;
	s10 =	sld [smem:$0x3FAB];
	_ =	sdelay $0x3  }
0x37: {  	[smem:$0x3FAB] =	sst s10  }
0x38: {  	s10 =	sld [smem:$0x3FAC]  }
0x39: {  	_ = 	snop;
	(pc) =	sbr.ind lr, $3  }
0x3a: {  	_ = 	snop  }
0x3b: {  	_ = 	snop  }
0x3c: {  	p2 =	seq.s32 s10, $0x1;
	s10 =	sld [smem:$0x3FAB]  }
0x3d: {  	_ =	shalt  }
0x3e: {  	_ =	shalt  }
0x3f: {  	_ =	shalt  }
0x40: {  	_ =	shalt  }
0x41: {  	_ =	shalt  }
0x42: {  	_ =	shalt  }
0x43: {  	_ =	shalt  }
0x44: {  	_ =	shalt  }
0x45: {  	_ =	shalt  }
0x46: {  	_ =	shalt  }
0x47: {  	_ =	shalt  }
0x48: {  	_ =	shalt  }
0x49: {  	_ =	shalt  }
0x4a: {  	_ =	shalt  }
0x4b: {  	_ =	shalt  }
0x4c: {  	_ =	shalt  }
0x4d: {  	_ =	shalt  }
0x4e: {  	_ =	shalt  }
0x4f: {  	_ =	shalt  }
0x50: {  	_ =	shalt  }
0x51: {  	_ =	shalt  }
0x52: {  	_ =	shalt  }
0x53: {  	_ =	shalt  }
0x54: {  	_ =	shalt  }
0x55: {  	_ =	shalt  }
0x56: {  	_ =	shalt  }
0x57: {  	_ =	shalt  }
0x58: {  	_ =	shalt  }
0x59: {  	_ =	shalt  }
0x5a: {  	_ =	shalt  }
0x5b: {  	_ =	shalt  }
0x5c: {  	_ =	shalt  }
0x5d: {  	_ =	shalt  }
0x5e: {  	_ =	shalt  }
0x5f: {  	_ =	shalt  }
0x60: {  	_ =	shalt  }
0x61: {  	_ =	shalt  }
0x62: {  	_ =	shalt  }
0x63: {  	_ =	shalt  }
0x64: {  	_ =	shalt  }
0x65: {  	_ =	shalt  }
0x66: {  	_ =	shalt  }
0x67: {  	_ =	shalt  }
0x68: {  	_ =	shalt  }
0x69: {  	_ =	shalt  }
0x6a: {  	_ =	shalt  }
0x6b: {  	_ =	shalt  }
0x6c: {  	_ =	shalt  }
0x6d: {  	_ =	shalt  }
0x6e: {  	_ =	shalt  }
0x6f: {  	_ =	shalt  }
0x70: {  	_ =	shalt  }
0x71: {  	_ =	shalt  }
0x72: {  	_ =	shalt  }
0x73: {  	_ =	shalt  }
0x74: {  	_ =	shalt  }
0x75: {  	_ =	shalt  }
0x76: {  	_ =	shalt  }
0x77: {  	_ =	shalt  }
0x78: {  	_ =	shalt  }
0x79: {  	_ =	shalt  }
0x7a: {  	_ =	shalt  }
0x7b: {  	_ =	shalt  }
0x7c: {  	_ =	shalt  }
0x7d: {  	_ =	shalt  }
0x7e: {  	_ =	shalt  }
0x7f: {  	_ =	shalt  }
0x80: {  	_ =	shalt  }
0x81: {  	_ =	shalt  }
0x82: {  	_ =	shalt  }
0x83: {  	_ =	shalt  }
0x84: {  	_ =	shalt  }
0x85: {  	_ =	shalt  }
0x86: {  	_ =	shalt  }
0x87: {  	_ =	shalt  }
.Lfunc_end0:
.L_simem_size_0:
called_computation.1_lowered:
.L_overlay_start_0:
0x88: {  	s2 =	sld [smem:$0x3FD9]  }
0x89: {  	s3 =	sld [smem:$0x3FFE];
	_ =	sdelay $0x1  }
0x8a: {  	s1 =	srdreg.scid  }
0x8b: {  	s0 =	sand.u32 $0x1, s1  }
0x8c: {  	s14 =	sshll.u32 s0, $0xA;
	s2 =	sadd.s32 s3, s2  }
0x8d: {  	s2 =	sadd.s32 s2, s14  }
0x8e: {  	[smem:$0x3FB7] =	sst s2  }
0x8f: {  	_ = 	snop  }
0x90: {  	s2 =	sld [smem:$0x3FD0];
	_ =	sdelay $0x2  }
0x91: {  	s15 =	simm.s32 $0xA;
	s4 =	simm.s32 $0x10  }
0x92: {  	[smem:s4], [sflag:s15] =	dma.local [hbm:s2], $0x1  }
0x93: {  	_ =	swait.eq [sflag:s15], $0x1  }
0x94: {  	[sflag:s15] =	ssyncset.done $0x0  }
0x95: {  	s16 =	sld [smem:$0x10];
	[sflag:s15] =	ssyncadd.s32 $0xFFFFFFFF  }
0x96: {  	s17 =	sld [smem:$0x11];
	(tm) =	ssettm $0x1  }
0x97: {  	s18 =	sld [smem:$0x3FFB];
	_ =	sdelay $0x3  }
0x98: {  	_ =	strace s18  }
0x99: {  	s4 =	sld [smem:$0x3FFC];
	_ =	sdelay $0x3  }
0x9a: {  	_ =	strace s4  }
0x9b: {  	s4 =	sld [smem:$0x3FFD];
	_ =	sdelay $0x3  }
0x9c: {  	_ =	strace s4  }
0x9d: {  	_ =	strace $0x8FFFFFFF  }
0x9e: {  	s19 =	sld [smem:$0x3FDB];
	_ =	sdelay $0x1  }
0x9f: {  	s5 =	simm.s32 $_scs_section_size  }
0xa0: {  	s6 =	simm.s32 $_size__tile_overlayer_lowered;
	s7 =	simm.s32 $_tile_overlayer_lowered  }
0xa1: {  	s22 =	simm.s32 $0x1BFF;
	s21 =	sshll.u32 s7, $0x1;
	s4 =	sadd.s32 s5, s19  }
0xa2: {  	s8 =	simm.s32 $0x0;
	s20 =	sshll.u32 s6, $0x1;
	s6 =	sadd.s32 s21, s4  }
0xa3: {  	[timem:s8], [sflag:s22] =	dma.local [hbm:s6], s20  }
0xa4: {  	_ =	swait.ge [sflag:s22], s20  }
0xa5: {  	s5 =	ssub.s32 $0x0, s20;
	[sflag:s22] =	ssyncset.done $0x0  }
0xa6: {  	[sflag:s22] =	ssyncadd.s32 s5;
	_ =	sdelay $0x1  }
0xa7: {  	s23 =	simm.s32 $0x1B8B  }
0xa8: {  	_ =	swait.ge [sflag:s23], $0x1  }
0xa9: {  	[sflag:s23] =	ssyncset.done $0x0  }
0xaa: {  	s25 =	simm.s32 $0x1B8E;
	s24 =	sld [smem:$0x3FFE];
	[sflag:s23] =	ssyncadd.s32 $0xFFFFFFFF  }
0xab: {  	s26 =	simm.s32 $execute0_lowered;
	[smem:$0x3FD2] =	sst s25  }
0xac: {  	s6 =	sshll.u32 s26, $0x1;
	_ =	strace $0x80000046;
	[dreg:$0x1] =	wrdreg $0xFFFFFFFF  }
0xad: {  	s28 =	simm.s32 $_size_execute0_lowered;
	s4 =	sadd.s32 s4, s6;
	[dreg:$0x0] =	wrdreg $0x0  }
0xae: {  	s6 =	sshll.u32 s28, $0x1;
	[dreg:$0x2] =	wrdreg s4  }
0xaf: {  	[dreg:$0x3] =	wrdreg s6  }
0xb0: {  	[dreg:$0x4] =	wrdreg $0xC0  }
0xb1: {  	_ =	task [dreg:s8], $0x5FFFF  }
0xb2: {  	[dreg:$0x1] =	wrdreg $0xFFFFFFFF  }
0xb3: {  	[dreg:$0x0] =	wrdreg $0x60  }
0xb4: {  	[dreg:$0x2] =	wrdreg s16  }
0xb5: {  	[dreg:$0x3] =	wrdreg s24  }
0xb6: {  	[dreg:$0x4] =	wrdreg s17  }
0xb7: {  	[dreg:$0x5] =	wrdreg $0x9  }
0xb8: {  	_ =	task.clear_ibuf [dreg:s8], $0x6FFFF;
	_ =	strace $0x90000046  }
0xb9: {  	s29 =	simm.s32 $0x9;
	_ =	strace $0x80000048  }
0xba: {  	_ =	swait.ge [sflag:s29], $0x1  }
0xbb: {  	[sflag:s29] =	ssyncadd.s32 $0xFFFFFFFF  }
0xbc: {  	_ =	strace $0x90000048  }
0xbd: {  	_ =	sfence  }
0xbe: {  	s30 =	sld [smem:$0x0];
	_ =	sdelay $0x2  }
0xbf: {  	s31 =	sshll.u32 s1, $0xD;
	s1 =	sshrl.u32 s1, $0x2  }
0xc0: {  	s3 =	sand.u32 $0x4000, s31;
	s1 =	sadd.s32 s1, s30  }
0xc1: {  	s0 =	sor.u32 s3, s0;
	s1 =	sshll.u32 s1, $0x11  }
0xc2: {  	s0 =	sor.u32 s1, s0  }
0xc3: {  	s0 =	sadd.s32 $0x8F2B, s0  }
0xc4: {  	[sflag:s0] =	ssyncadd.remote.s32 $0x1  }
0xc5: {  	_ =	sfence.sel $0xFFFF  }
0xc6: {  	[dreg:$0x0] =	wrdreg $0xFFFFFFFF;
	(pc) =	sbr.abs _section_cstart, $3  }
0xc7: {  	[dreg:$0x1] =	wrdreg $0xFFFFFFFF  }
0xc8: {  	_ =	task.clear_ibuf [dreg:s8], $0x2FFFF;
	_ =	strace $0x9FFFFFFF  }
0xc9: {  	(tm) =	ssettm $0x7FFFFFFF  }
tec
execute0_lowered:
.L_overlay_start_1:
0x0: {  	(tag) =	ssettag $0x1  }
0x1: {  	s1 =	rddreg [dreg:$0x0]  }
0x2: {  	s5 =	rddreg [dreg:$0x1]  }
0x3: {  	s6 =	rddreg [dreg:$0x2]  }
0x4: {  	s3 =	srdreg.scid;
	s0 =	stileid.u32  }
0x5: {  	s29 =	simm.s32 $0x3000;
	s30 =	simm.s32 $0xA400;
	s31 =	simm.s32 $0x4000  }
0x6: {  	s13 =	simm.s32 $0x5000;
	s14 =	simm.s32 $0xAC00;
	s15 =	simm.s32 $0x6000  }
0x7: {  	s16 =	simm.s32 $0xB000;
	s17 =	simm.s32 $0x7000;
	s18 =	simm.s32 $0xB400  }
0x8: {  	s19 =	simm.s32 $0x8000;
	s20 =	simm.s32 $0xB800;
	s21 =	simm.s32 $0x9000  }
0x9: {  	s22 =	simm.s32 $0xBC00;
	s23 =	simm.s32 $0x1;
	s24 =	simm.s32 $0x2  }
0xa: {  	s25 =	simm.s32 $0x0;
	s7 =	sand.u32 $0x1, s3;
	s3 =	simm.s32 $0x0  }
0xb: {  	s8 =	sshll.u32 s0, $0xE;
	s12 =	sshll.u32 s0, $0x10;
	s9 =	sshll.u32 s7, $0xD  }
0xc: {  	[smem:$0x7FF] =	sst s3;
	s11 =	ssub.s32 $0x2, s7;
	s6 =	sadd.s32 s12, s6  }
0xd: {  	s7 =	sshll.u32 s7, $0xF;
	s12 =	simm.s32 $0xA800;
	s4 =	sor.u32 s9, s8  }
0xe: {  	_ =	strace $0x80000047;
	s8 =	sadd.s32 s8, s5;
	[dreg:$0x5] =	wrdreg s29  }
0xf: {  	s26 =	sshrl.u32 s11, $0x1;
	s7 =	sadd.s32 s7, s6;
	[dreg:$0x6] =	wrdreg s30  }
0x10: {  	[dreg:$0x7] =	wrdreg s31;
	s10 =	sshrl.u32 s4, $0x3;
	s4 =	sadd.s32 $0x43400, s5  }
0x11: {  	s11 =	ssub.s32 s11, s26;
	s8 =	sadd.s32 s9, s8;
	[dreg:$0x4] =	wrdreg s7  }
0x12: {  	s9 =	simm.s32 $0x80;
	s10 =	sadd.s32 s10, s5;
	s6 =	smax.u32 s11, $0x1  }
0x13: {  	s7 =	sadd.s32 $0x4F400, s8;
	s8 =	simm.s32 $0x3;
	s28 =	sadd.s32 $0x47400, s10  }
0x14: {  	s11 =	simm.s32 $0xA000;
	s10 =	simm.s32 $0x2000;
	[dreg:$0x8] =	wrdreg s28  }
.LBB2_1:
0x15: {  	s0 =	rddreg [dreg:$0x8]  }
0x16: {  	[tilespmem:s3], [sflag:$0x3] =	stream.linear.gather [hbm4b:s0+s3], $0x2000, $0x38;
	[tilespmem:$0xC000] =	vst v63  }
0x17: {  	_ =	swait.ge [sflag:s8], $0x2000  }
0x18: {  	[sflag:s8] =	ssyncset.done $0x0  }
0x19: {  	s26 =	simm.s32 $0x0;
	[sflag:s8] =	ssyncadd.s32 $0xFFFFE000  }
0x1a: {  	[tilespmem:s10], [sflag:$0x1] =	stream.indirect.gather [hbm4b:s1+s9], $0x20, s26, s9, $0xb8;
	[tilespmem:$0xC000] =	vst v63  }
0x1b: {  	_ = 	snop  }
0x1c: {  	[tilespmem:s11], [sflag:$0x2] =	stream.indirect.gather [hbm4b:s4+s9], $0x8, s26, s9, $0xb8;
	[tilespmem:$0xC000] =	vst v63  }
0x1d: {  	s5 =	simm.s32 $0x80;
	s28 =	rddreg [dreg:$0x5]  }
0x1e: {  	[tilespmem:s28], [sflag:$0x1] =	stream.indirect.gather [hbm4b:s1+s9], $0x20, s5, s9, $0xb8;
	[tilespmem:$0xC000] =	vst v63  }
0x1f: {  	s29 =	rddreg [dreg:$0x6]  }
0x20: {  	[tilespmem:s29], [sflag:$0x2] =	stream.indirect.gather [hbm4b:s4+s9], $0x8, s5, s9, $0xb8;
	[tilespmem:$0xC000] =	vst v63  }
0x21: {  	s28 =	rddreg [dreg:$0x7];
	s29 =	simm.s32 $0x100  }
0x22: {  	[tilespmem:s28], [sflag:$0x1] =	stream.indirect.gather [hbm4b:s1+s9], $0x20, s29, s9, $0xb8;
	[tilespmem:$0xC000] =	vst v63  }
0x23: {  	_ = 	snop  }
0x24: {  	[tilespmem:s12], [sflag:$0x2] =	stream.indirect.gather [hbm4b:s4+s9], $0x8, s29, s9, $0xb8;
	[tilespmem:$0xC000] =	vst v63  }
0x25: {  	s30 =	simm.s32 $0x180  }
0x26: {  	[tilespmem:s13], [sflag:$0x1] =	stream.indirect.gather [hbm4b:s1+s9], $0x20, s30, s9, $0xb8;
	[tilespmem:$0xC000] =	vst v63  }
0x27: {  	_ = 	snop  }
0x28: {  	[tilespmem:s14], [sflag:$0x2] =	stream.indirect.gather [hbm4b:s4+s9], $0x8, s30, s9, $0xb8;
	[tilespmem:$0xC000] =	vst v63  }
0x29: {  	s0 =	simm.s32 $0x200  }
0x2a: {  	[tilespmem:s15], [sflag:$0x1] =	stream.indirect.gather [hbm4b:s1+s9], $0x20, s0, s9, $0xb8;
	[tilespmem:$0xC000] =	vst v63  }
0x2b: {  	_ = 	snop  }
0x2c: {  	[tilespmem:s16], [sflag:$0x2] =	stream.indirect.gather [hbm4b:s4+s9], $0x8, s0, s9, $0xb8;
	[tilespmem:$0xC000] =	vst v63  }
0x2d: {  	s2 =	simm.s32 $0x280  }
0x2e: {  	[tilespmem:s17], [sflag:$0x1] =	stream.indirect.gather [hbm4b:s1+s9], $0x20, s2, s9, $0xb8;
	[tilespmem:$0xC000] =	vst v63  }
0x2f: {  	_ = 	snop  }
0x30: {  	[tilespmem:s18], [sflag:$0x2] =	stream.indirect.gather [hbm4b:s4+s9], $0x8, s2, s9, $0xb8;
	[tilespmem:$0xC000] =	vst v63  }
0x31: {  	s5 =	simm.s32 $0x300  }
0x32: {  	[tilespmem:s19], [sflag:$0x1] =	stream.indirect.gather [hbm4b:s1+s9], $0x20, s5, s9, $0xb8;
	[tilespmem:$0xC000] =	vst v63  }
0x33: {  	_ = 	snop  }
0x34: {  	[tilespmem:s20], [sflag:$0x2] =	stream.indirect.gather [hbm4b:s4+s9], $0x8, s5, s9, $0xb8;
	[tilespmem:$0xC000] =	vst v63  }
0x35: {  	s29 =	simm.s32 $0x380  }
0x36: {  	[tilespmem:s21], [sflag:$0x1] =	stream.indirect.gather [hbm4b:s1+s9], $0x20, s29, s9, $0xb8;
	[tilespmem:$0xC000] =	vst v63  }
0x37: {  	_ = 	snop  }
0x38: {  	[tilespmem:s22], [sflag:$0x2] =	stream.indirect.gather [hbm4b:s4+s9], $0x8, s29, s9, $0xb8;
	[tilespmem:$0xC000] =	vst v63  }
0x39: {  	_ =	swait.ge [sflag:s23], $0x8000  }
0x3a: {  	[sflag:s23] =	ssyncset.done $0x0  }
0x3b: {  	[sflag:s23] =	ssyncadd.s32 $0xFFFF8000  }
0x3c: {  	_ =	swait.ge [sflag:s24], $0x2000  }
0x3d: {  	s30 =	rddreg [dreg:$0x4];
	[sflag:s24] =	ssyncset.done $0x0  }
0x3e: {  	[sflag:s24] =	ssyncadd.s32 $0xFFFFE000;
	s26 =	sadd.s32 $0x0, s30  }
0x3f: {  	[hbm4b:s26+s3] =	stream.linear.scatter [tilespmem:s10], [sflag:$0x3], $0x8000, $0x38;
	[tilespmem:$0xC000] =	vst v63  }
0x40: {  	_ =	swait.ge [sflag:s8], $0x8000  }
0x41: {  	[sflag:s8] =	ssyncset.done $0x0  }
0x42: {  	[sflag:s8] =	ssyncadd.s32 $0xFFFF8000  }
0x43: {  	[hbm4b:s7+s3] =	stream.linear.scatter [tilespmem:s11], [sflag:$0x3], $0x2000, $0x38;
	[tilespmem:$0xC000] =	vst v63  }
0x44: {  	s31 =	simm.s32 $0x2000;
	_ =	swait.ge [sflag:s8], $0x2000  }
0x45: {  	s28 =	simm.s32 $0x1000;
	s26 =	sadd.s32 $0x400, s7;
	[sflag:s8] =	ssyncset.done $0x0  }
.LBB2_2:
0x46: {  	s0 =	sshra.s32 s28, $0x2;
	[sflag:s8] =	ssyncadd.s32 $0xFFFFE000  }
0x47: {  	[tilespmem:s10], [sflag:$0x1] =	stream.indirect.gather [hbm4b:s1+s9], $0x20, s0, s9, $0xb8;
	[tilespmem:$0xC000] =	vst v63  }
0x48: {  	s30 =	smov.u32 s31;
	s29 =	sadd.s32 $0x1000, s31  }
0x49: {  	[tilespmem:s11], [sflag:$0x2] =	stream.indirect.gather [hbm4b:s4+s9], $0x8, s0, s9, $0xb8;
	[tilespmem:$0xC000] =	vst v63  }
0x4a: {  	p0 =	sne.s32 s31, $0x7000;
	s31 =	rddreg [dreg:$0x5];
	s2 =	sadd.s32 $0x80, s0  }
0x4b: {  	[tilespmem:s31], [sflag:$0x1] =	stream.indirect.gather [hbm4b:s1+s9], $0x20, s2, s9, $0xb8;
	[tilespmem:$0xC000] =	vst v63  }
0x4c: {  	s5 =	rddreg [dreg:$0x6]  }
0x4d: {  	[tilespmem:s5], [sflag:$0x2] =	stream.indirect.gather [hbm4b:s4+s9], $0x8, s2, s9, $0xb8;
	[tilespmem:$0xC000] =	vst v63  }
0x4e: {  	s31 =	rddreg [dreg:$0x7];
	s5 =	sadd.s32 $0x100, s0  }
0x4f: {  	[tilespmem:s31], [sflag:$0x1] =	stream.indirect.gather [hbm4b:s1+s9], $0x20, s5, s9, $0xb8;
	[tilespmem:$0xC000] =	vst v63  }
0x50: {  	_ = 	snop  }
0x51: {  	[tilespmem:s12], [sflag:$0x2] =	stream.indirect.gather [hbm4b:s4+s9], $0x8, s5, s9, $0xb8;
	[tilespmem:$0xC000] =	vst v63  }
0x52: {  	s5 =	sadd.s32 $0x180, s0  }
0x53: {  	[tilespmem:s13], [sflag:$0x1] =	stream.indirect.gather [hbm4b:s1+s9], $0x20, s5, s9, $0xb8;
	[tilespmem:$0xC000] =	vst v63  }
0x54: {  	_ = 	snop  }
0x55: {  	[tilespmem:s14], [sflag:$0x2] =	stream.indirect.gather [hbm4b:s4+s9], $0x8, s5, s9, $0xb8;
	[tilespmem:$0xC000] =	vst v63  }
0x56: {  	s5 =	sadd.s32 $0x200, s0  }
0x57: {  	[tilespmem:s15], [sflag:$0x1] =	stream.indirect.gather [hbm4b:s1+s9], $0x20, s5, s9, $0xb8;
	[tilespmem:$0xC000] =	vst v63  }
0x58: {  	_ = 	snop  }
0x59: {  	[tilespmem:s16], [sflag:$0x2] =	stream.indirect.gather [hbm4b:s4+s9], $0x8, s5, s9, $0xb8;
	[tilespmem:$0xC000] =	vst v63  }
0x5a: {  	s5 =	sadd.s32 $0x280, s0  }
0x5b: {  	[tilespmem:s17], [sflag:$0x1] =	stream.indirect.gather [hbm4b:s1+s9], $0x20, s5, s9, $0xb8;
	[tilespmem:$0xC000] =	vst v63  }
0x5c: {  	_ = 	snop  }
0x5d: {  	[tilespmem:s18], [sflag:$0x2] =	stream.indirect.gather [hbm4b:s4+s9], $0x8, s5, s9, $0xb8;
	[tilespmem:$0xC000] =	vst v63  }
0x5e: {  	s5 =	sadd.s32 $0x300, s0  }
0x5f: {  	[tilespmem:s19], [sflag:$0x1] =	stream.indirect.gather [hbm4b:s1+s9], $0x20, s5, s9, $0xb8;
	[tilespmem:$0xC000] =	vst v63  }
0x60: {  	_ = 	snop  }
0x61: {  	[tilespmem:s20], [sflag:$0x2] =	stream.indirect.gather [hbm4b:s4+s9], $0x8, s5, s9, $0xb8;
	[tilespmem:$0xC000] =	vst v63  }
0x62: {  	s0 =	sadd.s32 $0x380, s0  }
0x63: {  	[tilespmem:s21], [sflag:$0x1] =	stream.indirect.gather [hbm4b:s1+s9], $0x20, s0, s9, $0xb8;
	[tilespmem:$0xC000] =	vst v63  }
0x64: {  	_ = 	snop  }
0x65: {  	[tilespmem:s22], [sflag:$0x2] =	stream.indirect.gather [hbm4b:s4+s9], $0x8, s0, s9, $0xb8;
	[tilespmem:$0xC000] =	vst v63  }
0x66: {  	_ =	swait.ge [sflag:s23], $0x8000  }
0x67: {  	[sflag:s23] =	ssyncset.done $0x0  }
0x68: {  	[sflag:s23] =	ssyncadd.s32 $0xFFFF8000  }
0x69: {  	_ =	swait.ge [sflag:s24], $0x2000  }
0x6a: {  	s5 =	rddreg [dreg:$0x4];
	[sflag:s24] =	ssyncset.done $0x0  }
0x6b: {  	[sflag:s24] =	ssyncadd.s32 $0xFFFFE000;
	s0 =	sadd.s32 s28, s5  }
0x6c: {  	[hbm4b:s0+s3] =	stream.linear.scatter [tilespmem:s10], [sflag:$0x3], $0x8000, $0x38;
	[tilespmem:$0xC000] =	vst v63  }
0x6d: {  	_ =	swait.ge [sflag:s8], $0x8000  }
.Ltmp0:
0x6e: {  	[sflag:s8] =	ssyncset.done $0x0;
	(pc) =	sbr.rel @p0 .LBB2_2-.Ltmp0, $4  }
0x6f: {  	[sflag:s8] =	ssyncadd.s32 $0xFFFF8000  }
0x70: {  	[hbm4b:s26+s3] =	stream.linear.scatter [tilespmem:s11], [sflag:$0x3], $0x2000, $0x38;
	[tilespmem:$0xC000] =	vst v63  }
0x71: {  	s31 =	smov.u32 s29;
	_ =	swait.ge [sflag:s8], $0x2000  }
0x72: {  	s28 =	smov.u32 s30;
	s26 =	sadd.s32 $0x400, s26;
	[sflag:s8] =	ssyncset.done $0x0  }
0x73: {  	s0 =	sshra.s32 s28, $0x2;
	[sflag:s8] =	ssyncadd.s32 $0xFFFFE000  }
0x74: {  	[tilespmem:s10], [sflag:$0x1] =	stream.indirect.gather [hbm4b:s1+s9], $0x20, s0, s9, $0xb8;
	[tilespmem:$0xC000] =	vst v63  }
0x75: {  	_ = 	snop  }
0x76: {  	[tilespmem:s11], [sflag:$0x2] =	stream.indirect.gather [hbm4b:s4+s9], $0x8, s0, s9, $0xb8;
	[tilespmem:$0xC000] =	vst v63  }
0x77: {  	s2 =	rddreg [dreg:$0x5];
	s5 =	sadd.s32 $0x80, s0  }
0x78: {  	[tilespmem:s2], [sflag:$0x1] =	stream.indirect.gather [hbm4b:s1+s9], $0x20, s5, s9, $0xb8;
	[tilespmem:$0xC000] =	vst v63  }
0x79: {  	s29 =	rddreg [dreg:$0x6]  }
0x7a: {  	[tilespmem:s29], [sflag:$0x2] =	stream.indirect.gather [hbm4b:s4+s9], $0x8, s5, s9, $0xb8;
	[tilespmem:$0xC000] =	vst v63  }
0x7b: {  	s31 =	rddreg [dreg:$0x7];
	s30 =	sadd.s32 $0x100, s0  }
0x7c: {  	[tilespmem:s31], [sflag:$0x1] =	stream.indirect.gather [hbm4b:s1+s9], $0x20, s30, s9, $0xb8;
	[tilespmem:$0xC000] =	vst v63  }
0x7d: {  	_ = 	snop  }
0x7e: {  	[tilespmem:s12], [sflag:$0x2] =	stream.indirect.gather [hbm4b:s4+s9], $0x8, s30, s9, $0xb8;
	[tilespmem:$0xC000] =	vst v63  }
0x7f: {  	s31 =	sadd.s32 $0x180, s0  }
0x80: {  	[tilespmem:s13], [sflag:$0x1] =	stream.indirect.gather [hbm4b:s1+s9], $0x20, s31, s9, $0xb8;
	[tilespmem:$0xC000] =	vst v63  }
0x81: {  	_ = 	snop  }
0x82: {  	[tilespmem:s14], [sflag:$0x2] =	stream.indirect.gather [hbm4b:s4+s9], $0x8, s31, s9, $0xb8;
	[tilespmem:$0xC000] =	vst v63  }
0x83: {  	s5 =	sadd.s32 $0x200, s0  }
0x84: {  	[tilespmem:s15], [sflag:$0x1] =	stream.indirect.gather [hbm4b:s1+s9], $0x20, s5, s9, $0xb8;
	[tilespmem:$0xC000] =	vst v63  }
0x85: {  	_ = 	snop  }
0x86: {  	[tilespmem:s16], [sflag:$0x2] =	stream.indirect.gather [hbm4b:s4+s9], $0x8, s5, s9, $0xb8;
	[tilespmem:$0xC000] =	vst v63  }
0x87: {  	s29 =	sadd.s32 $0x280, s0  }
0x88: {  	[tilespmem:s17], [sflag:$0x1] =	stream.indirect.gather [hbm4b:s1+s9], $0x20, s29, s9, $0xb8;
	[tilespmem:$0xC000] =	vst v63  }
0x89: {  	_ = 	snop  }
0x8a: {  	[tilespmem:s18], [sflag:$0x2] =	stream.indirect.gather [hbm4b:s4+s9], $0x8, s29, s9, $0xb8;
	[tilespmem:$0xC000] =	vst v63  }
0x8b: {  	s30 =	sadd.s32 $0x300, s0  }
0x8c: {  	[tilespmem:s19], [sflag:$0x1] =	stream.indirect.gather [hbm4b:s1+s9], $0x20, s30, s9, $0xb8;
	[tilespmem:$0xC000] =	vst v63  }
0x8d: {  	_ = 	snop  }
0x8e: {  	[tilespmem:s20], [sflag:$0x2] =	stream.indirect.gather [hbm4b:s4+s9], $0x8, s30, s9, $0xb8;
	[tilespmem:$0xC000] =	vst v63  }
0x8f: {  	s0 =	sadd.s32 $0x380, s0  }
0x90: {  	[tilespmem:s21], [sflag:$0x1] =	stream.indirect.gather [hbm4b:s1+s9], $0x20, s0, s9, $0xb8;
	[tilespmem:$0xC000] =	vst v63  }
0x91: {  	_ = 	snop  }
0x92: {  	[tilespmem:s22], [sflag:$0x2] =	stream.indirect.gather [hbm4b:s4+s9], $0x8, s0, s9, $0xb8;
	[tilespmem:$0xC000] =	vst v63  }
0x93: {  	_ =	swait.ge [sflag:s23], $0x8000  }
0x94: {  	[sflag:s23] =	ssyncset.done $0x0  }
0x95: {  	[sflag:s23] =	ssyncadd.s32 $0xFFFF8000  }
0x96: {  	_ =	swait.ge [sflag:s24], $0x2000  }
0x97: {  	s31 =	rddreg [dreg:$0x4];
	[sflag:s24] =	ssyncset.done $0x0  }
0x98: {  	s0 =	sadd.s32 s28, s31;
	[sflag:s24] =	ssyncadd.s32 $0xFFFFE000  }
0x99: {  	[hbm4b:s0+s3] =	stream.linear.scatter [tilespmem:s10], [sflag:$0x3], $0x8000, $0x38;
	[tilespmem:$0xC000] =	vst v63  }
0x9a: {  	s25 =	sadd.s32 $0x1, s25;
	_ =	swait.ge [sflag:s8], $0x8000  }
0x9b: {  	p0 =	sne.s32 s25, s6;
	[sflag:s8] =	ssyncset.done $0x0  }
.Ltmp1:
0x9c: {  	[sflag:s8] =	ssyncadd.s32 $0xFFFF8000;
	(pc) =	sbr.rel @p0 .LBB2_1-.Ltmp1, $4  }
0x9d: {  	[hbm4b:s26+s3] =	stream.linear.scatter [tilespmem:s11], [sflag:$0x3], $0x2000, $0x38;
	[tilespmem:$0xC000] =	vst v63  }
0x9e: {  	_ =	swait.ge [sflag:s8], $0x2000  }
0x9f: {  	[sflag:s8] =	ssyncset.done $0x0  }
0xa0: {  	[sflag:s8] =	ssyncadd.s32 $0xFFFFE000  }
0xa1: {  	_ =	sfence.sel $0x180000  }
0xa2: {  	[bflag:$0x0] =	sbarrier.arrive $0xFFFF  }
0xa3: {  	_ =	strace $0x90000047  }
0xa4: {  	s0 =	stileid.u32;
	[bflag:$0x2] =	sbarrier.arrive $0xFFFF  }
0xa5: {  	p0 =	sne.s32 s0, $0x0;
	s0 =	rddreg [dreg:$0x3]  }
0xa6: {  	s0 =	sadd.s32 @!p0 $0x100000, s0  }
0xa7: {  	[sflag:s0] =	ssyncadd.tile.s32 @!p0 $0x1;
	_ =	shalt  }
.Lfunc_end2:
_tile_overlayer_lowered:
.L_overlay_start_2:
0xa8: {  	(tag) =	ssettag $0x2  }
0xa9: {  	s0 =	rddreg [dreg:$0x0];
	s2 =	stileid.u32  }
0xaa: {  	s1 =	rddreg [dreg:$0x1];
	p0 =	sne.s32 s2, $0x0  }
0xab: {  	s3 =	rddreg [dreg:$0x2];
	[bflag:$0x3] =	sbarrier.arrive $0xFFFF;
	s2 =	simm.s32 @!p0 $0x1C03  }
0xac: {  	[timem:s3], [sflag:s2] =	dma.local @!p0 [hbm:s0], s1  }
0xad: {  	s0 =	simm.s32 @!p0 $0x3  }
0xae: {  	_ =	swait.ge @!p0 [sflag:s0], s1  }
0xaf: {  	s1 =	ssub.s32 @!p0 $0x0, s1;
	[sflag:s0] =	ssyncset.done @!p0 $0x0  }
0xb0: {  	[sflag:s0] =	ssyncadd.s32 @!p0 s1  }
0xb1: {  	[bflag:$0x3] =	sbarrier.arrive $0xFFFF  }
0xb2: {  	_ =	shalt  }

// kernel: sparse-core-data-format-call.cloned.1.call-start
scs
called_computation_lowered:
.L_overlay_start_0:
0x0: {  	s1 =	sld [smem:$0x3FD9]  }
0x1: {  	s2 =	sld [smem:$0x3FFE];
	_ =	sdelay $0x1  }
0x2: {  	s3 =	srdreg.scid  }
0x3: {  	s0 =	sand.u32 $0x1, s3  }
0x4: {  	s17 =	sshll.u32 s0, $0xA;
	s1 =	sadd.s32 s2, s1  }
0x5: {  	s1 =	sadd.s32 s1, s17  }
0x6: {  	[smem:$0x3FB7] =	sst s1  }
0x7: {  	_ = 	snop  }
0x8: {  	(tm) =	ssettm $0x1  }
0x9: {  	s18 =	sld [smem:$0x3FFB];
	_ =	sdelay $0x3  }
0xa: {  	_ =	strace s18  }
0xb: {  	s1 =	sld [smem:$0x3FFC];
	_ =	sdelay $0x3  }
0xc: {  	_ =	strace s1  }
0xd: {  	s1 =	sld [smem:$0x3FFD];
	_ =	sdelay $0x3  }
0xe: {  	_ =	strace s1  }
0xf: {  	_ =	strace $0x8FFFFFFF  }
0x10: {  	s19 =	sld [smem:$0x3FDB];
	_ =	sdelay $0x1  }
0x11: {  	s20 =	simm.s32 $_scs_section_size  }
0x12: {  	s4 =	simm.s32 $_size__tile_overlayer_lowered;
	s5 =	simm.s32 $_tile_overlayer_lowered  }
0x13: {  	s23 =	simm.s32 $0x1BFF;
	s22 =	sshll.u32 s5, $0x1;
	s1 =	sadd.s32 s20, s19  }
0x14: {  	s6 =	simm.s32 $0x0;
	s21 =	sshll.u32 s4, $0x1;
	s4 =	sadd.s32 s22, s1  }
0x15: {  	[timem:s6], [sflag:s23] =	dma.local [hbm:s4], s21  }
0x16: {  	_ =	swait.ge [sflag:s23], s21  }
0x17: {  	s2 =	ssub.s32 $0x0, s21;
	[sflag:s23] =	ssyncset.done $0x0  }
0x18: {  	[sflag:s23] =	ssyncadd.s32 s2;
	_ =	sdelay $0x1  }
0x19: {  	s24 =	simm.s32 $0x1B8B  }
0x1a: {  	_ =	swait.ge [sflag:s24], $0x1  }
0x1b: {  	[sflag:s24] =	ssyncset.done $0x0  }
0x1c: {  	s26 =	simm.s32 $0x1B8E;
	s25 =	sld [smem:$0x3FFE];
	[sflag:s24] =	ssyncadd.s32 $0xFFFFFFFF  }
0x1d: {  	s27 =	simm.s32 $execute0_lowered;
	[smem:$0x3FD2] =	sst s26  }
0x1e: {  	s4 =	sshll.u32 s27, $0x1;
	_ =	strace $0x80000049;
	[dreg:$0x1] =	wrdreg $0xFFFFFFFF  }
0x1f: {  	s28 =	simm.s32 $_size_execute0_lowered;
	s1 =	sadd.s32 s1, s4;
	[dreg:$0x0] =	wrdreg $0x0  }
0x20: {  	s4 =	sshll.u32 s28, $0x1;
	[dreg:$0x2] =	wrdreg s1  }
0x21: {  	[dreg:$0x3] =	wrdreg s4  }
0x22: {  	[dreg:$0x4] =	wrdreg $0xC0  }
0x23: {  	_ =	task [dreg:s6], $0x5FFFF  }
0x24: {  	[dreg:$0x1] =	wrdreg $0xFFFFFFFF  }
0x25: {  	[dreg:$0x0] =	wrdreg $0x60  }
0x26: {  	[dreg:$0x2] =	wrdreg s25  }
0x27: {  	[dreg:$0x3] =	wrdreg $0x9  }
0x28: {  	_ =	task.clear_ibuf [dreg:s6], $0x4FFFF;
	_ =	strace $0x90000049  }
0x29: {  	s29 =	simm.s32 $0x9;
	_ =	strace $0x8000004B  }
0x2a: {  	_ =	swait.ge [sflag:s29], $0x1  }
0x2b: {  	[sflag:s29] =	ssyncadd.s32 $0xFFFFFFFF  }
0x2c: {  	_ =	strace $0x9000004B  }
0x2d: {  	_ =	sfence  }
0x2e: {  	s30 =	sld [smem:$0x0];
	_ =	sdelay $0x2  }
0x2f: {  	s31 =	sshll.u32 s3, $0xD;
	s3 =	sshrl.u32 s3, $0x2  }
0x30: {  	s2 =	sand.u32 $0x4000, s31;
	s1 =	sadd.s32 s3, s30  }
0x31: {  	s0 =	sor.u32 s2, s0;
	s1 =	sshll.u32 s1, $0x11  }
0x32: {  	s0 =	sor.u32 s1, s0  }
0x33: {  	s0 =	sadd.s32 $0x8F2B, s0  }
0x34: {  	[sflag:s0] =	ssyncadd.remote.s32 $0x1  }
0x35: {  	_ =	sfence.sel $0xFFFF  }
0x36: {  	[dreg:$0x0] =	wrdreg $0xFFFFFFFF;
	(pc) =	sbr.abs _section_cstart, $3  }
0x37: {  	[dreg:$0x1] =	wrdreg $0xFFFFFFFF  }
0x38: {  	_ =	task.clear_ibuf [dreg:s6], $0x2FFFF;
	_ =	strace $0x9FFFFFFF  }
0x39: {  	(tm) =	ssettm $0x7FFFFFFF  }
tec
execute0_lowered:
.L_overlay_start_1:
0x0: {  	(tag) =	ssettag $0x1  }
0x1: {  	s7 =	rddreg [dreg:$0x0]  }
0x2: {  	s0 =	rddreg [dreg:$0x1]  }
0x3: {  	s1 =	srdreg.scid;
	_ =	strace $0x8000004A;
	s8 =	simm.s32 $0x2  }
0x4: {  	s14 =	simm.s32 $0x0;
	p0 =	por $0x0, $0x0;
	s15 =	simm.s32 $0x0  }
0x5: {  	s17 =	simm.s32 $0x0;
	s16 =	simm.s32 $0x0;
	s10 =	simm.s32 $0x0  }
0x6: {  	s11 =	simm.s32 $0x0;
	s9 =	simm.s32 $0x0;
	s3 =	sshll.u32 s1, $0x4  }
.Ltmp0:
0x7: {  	s2 =	sadd.s32 $0x88F400, s7;
	s1 =	stileid.u32;
	(pc) =	sbr.rel .LBB1_1-.Ltmp0, $4  }
0x8: {  	s4 =	sand.u32 $0x10, s3;
	s3 =	sadd.s32 $0x3400, s7;
	s5 =	sand.u32 $0x3, s1  }
0x9: {  	s7 =	sadd.s32 $0x890400, s7;
	s6 =	sor.u32 s1, s4;
	s4 =	simm.s32 $0x1  }
0xa: {  	s13 =	smov.u32 s5;
	[sflag:s4] =	ssyncpa.u1 $0x0;
	s6 =	sshrl.u32 s6, $0x2  }
0xb: {  	[sflag:s8] =	ssyncpa.u1 $0x0;
	s8 =	simm.s32 $0x1000;
	s12 =	smov.u32 s6  }
.LBB1_7:
0xc: {  	s18 =	sadd.s32 $0x80, s10  }
0xd: {  	s14 =	sadd.s32 $0x2, s11;
	s19 =	smov.u32 s11;
	p2 =	sgt.s32 s18, $0xFF  }
0xe: {  	s19 =	smov.u32 @p2 s14  }
0xf: {  	s20 =	smov.u32 s12;
	s14 =	sadd.s32 $0x8, s12;
	p3 =	sgt.s32 s19, $0xF  }
0x10: {  	s20 =	smov.u32 @p3 s14  }
0x11: {  	s21 =	smov.u32 s13;
	s14 =	sadd.s32 $0x4, s13;
	p4 =	sgt.s32 s20, $0xF  }
0x12: {  	p1 =	slt.u32 s9, $0x2;
	s21 =	smov.u32 @p4 s14  }
0x13: {  	s9 =	sadd.s32 $0x1, s9;
	s18 =	simm.s32 @p2 $0x0;
	p2 =	sgt.s32 s21, $0x3  }
0x14: {  	s22 =	simm.s32 @!p1 $0x2;
	s21 =	smov.u32 @p2 s5;
	p2 =	sne.s32 s9, $0x22  }
.Ltmp1:
0x15: {  	s15 =	smov.u32 s11;
	_ =	swait.ge @!p1 [sflag:s22], $0x4000;
	(pc) =	sbr.rel @!p2 .LBB1_8-.Ltmp1, $4  }
0x16: {  	s17 =	smov.u32 s12;
	s16 =	smov.u32 s13;
	[sflag:s22] =	ssyncset.done @!p1 $0x0  }
0x17: {  	p0 =	por !p0, !p0;
	s19 =	simm.s32 @p3 $0x0;
	[sflag:s22] =	ssyncadd.s32 @!p1 $0xFFFFC000  }
0x18: {  	s11 =	smov.u32 s19;
	s20 =	smov.u32 @p4 s6;
	s14 =	smov.u32 s10  }
0x19: {  	s10 =	smov.u32 s18;
	s12 =	smov.u32 s20;
	s13 =	smov.u32 s21  }
.LBB1_1:
0x1a: {  	p1 =	sgt.u32 s9, $0x1F  }
0x1b: {  	s18 =	sshll.u32 @!p1 s13, $0x14  }
0x1c: {  	s19 =	sshll.u32 @!p1 s12, $0x10;
	s20 =	sxor.u32 @!p1 $0xFFFFFFFF, s9;
	s22 =	sshll.u32 @!p1 s10, $0x4  }
0x1d: {  	s23 =	simm.s32 @!p1 $0x40;
	s18 =	sadd.s32 @!p1 s18, s19;
	s19 =	sshll.u32 @!p1 s11, $0xC  }
0x1e: {  	s24 =	simm.s32 @!p1 $0x80;
	s20 =	sshll.u32 @!p1 s20, $0xE;
	s21 =	sadd.s32 @!p1 s19, s18  }
0x1f: {  	s22 =	sand.u32 @!p1 $0xFF0, s22;
	s19 =	sadd.s32 @!p1 s19, s7;
	s21 =	sadd.s32 @!p1 s2, s21  }
0x20: {  	s20 =	sand.u32 @!p1 $0x4000, s20;
	s18 =	sadd.s32 @!p1 s18, s19;
	s21 =	sadd.s32 @!p1 s22, s21  }
0x21: {  	[tilespmem:s20], [sflag:$0x1] =	stream.strided.gather @!p1 [hbm4b:s21+s23], $0x2000, s24, s23, $0x38;
	[tilespmem:$0x10100] =	vst v63  }
0x22: {  	s19 =	sor.u32 @!p1 $0x2000, s20;
	s18 =	sadd.s32 @!p1 s22, s18  }
0x23: {  	[tilespmem:s19], [sflag:$0x1] =	stream.strided.gather @!p1 [hbm4b:s18+s23], $0x2000, s24, s23, $0x38;
	[tilespmem:$0x10100] =	vst v63  }
0x24: {  	p1 =	seq.s32 s9, $0x0  }
0x25: {  	p2 =	seq.s32 @!p1 s9, $0x21  }
0x26: {  	p1 =	por p1, p2  }
.Ltmp2:
0x27: {  	_ = 	snop;
	(pc) =	sbr.rel @p1 .LBB1_7-.Ltmp2, $1  }
0x28: {  	_ =	sdelay $0x3  }
0x29: {  	s18 =	simm.s32 $0x1;
	s20 =	sand.u32 $0x1, s9  }
0x2a: {  	_ =	swait.ge [sflag:s4], $0x4000;
	s18 =	simm.s32 @!p0 $0x0;
	s20 =	smul.u32 $0x10200, s20  }
0x2b: {  	p2 =	por $0x1, $0x1;
	[sflag:s4] =	ssyncset.done $0x0;
	s19 =	smul.u32 $0x10200, s18  }
0x2c: {  	s21 =	sshll.u32 s18, $0x10;
	[sflag:s4] =	ssyncadd.s32 $0xFFFFC000;
	s30 =	sshrl.u32 s20, $0x2  }
0x2d: {  	s31 =	sshrl.u32 s21, $0x2;
	s21 =	simm.s32 $0x0;
	s19 =	sshrl.u32 s19, $0x2  }
0x2e: {  	s18 =	sor.u32 $0x8000, s30;
	s20 =	sadd.s32 $0x20, s31;
	s19 =	sor.u32 $0x8000, s19  }
.LBB1_3:
0x2f: {  	s22 =	sshll.u32 s21, $0xD  }
0x30: {  	s22 =	sand.u32 $0x3FFFE000, s22  }
0x31: {  	s24 =	sadd.s32 s22, s20  }
0x32: {  	s31 =	smul.u32 $0x8100, s21;
	v3 =	vld [tilespmem:s24+$0x10]  }
0x33: {  	v1 =	vld [tilespmem:s24+$0xFFFFFFF0]  }
0x34: {  	s21 =	sshra.s32 s31, $0x2;
	v0 =	vld [tilespmem:s24+$0x0]  }
0x35: {  	s21 =	sadd.s32 s21, s19;
	v2 =	vld [tilespmem:s24+$0xFFFFFFE0]  }
0x36: {  	s22 =	sadd.s32 $0x0, s21  }
0x37: {  	p1 =	por p2, p2;
	s23 =	simm.s32 $0x4;
	s24 =	sadd.s32 $0x40, s24;
	[tilespmem:s22+$0x1830 ss:$0x81] =	vst.msk $0xffff, v3  }
.LBB1_4:
0x38: {  	v3 =	vld [tilespmem:s24+$0x10];
	p2 =	sne.s32 s23, $0x1FC;
	[tilespmem:s22+$0x810 ss:$0x81] =	vst.msk $0xffff, v1;
	s25 =	smov.u32 s23;
	s23 =	sadd.s32 $0x4, s23  }
.Ltmp3:
0x39: {  	v1 =	vld [tilespmem:s24+$0xFFFFFFF0];
	[tilespmem:s22+$0x1020 ss:$0x81] =	vst.msk $0xffff, v0;
	(pc) =	sbr.rel @p2 .LBB1_4-.Ltmp3, $4  }
0x3a: {  	v0 =	vld [tilespmem:s24+$0x0];
	[tilespmem:s22+$0x0 ss:$0x81] =	vst.msk $0xffff, v2  }
0x3b: {  	s22 =	sshra.s32 s25, $0x2;
	v2 =	vld [tilespmem:s24+$0xFFFFFFE0]  }
0x3c: {  	s22 =	sadd.s32 s22, s21  }
0x3d: {  	s24 =	sadd.s32 $0x40, s24;
	[tilespmem:s22+$0x1830 ss:$0x81] =	vst.msk $0xffff, v3  }
.Ltmp4:
0x3e: {  	(pc) =	sbr.rel @p1 .LBB1_3-.Ltmp4, $4  }
0x3f: {  	_ = 	snop  }
0x40: {  	[tilespmem:s22+$0x810 ss:$0x81] =	vst.msk $0xffff, v1  }
0x41: {  	[tilespmem:s22+$0x1020 ss:$0x81] =	vst.msk $0xffff, v0  }
0x42: {  	s21 =	simm.s32 $0x1;
	p2 =	por $0x0, $0x0;
	[tilespmem:s22+$0x0 ss:$0x81] =	vst.msk $0xffff, v2  }
0x43: {  	s19 =	sand.u32 $0x78, s14  }
0x44: {  	s20 =	sshll.u32 s17, $0x8;
	s21 =	sshll.u32 s14, $0x3;
	s27 =	sshll.u32 s17, $0x7  }
0x45: {  	s16 =	sshll.u32 s16, $0x13;
	s15 =	sshll.u32 s15, $0xF;
	s30 =	sand.u32 $0x7, s14  }
0x46: {  	s20 =	sand.u32 $0x800, s20;
	s21 =	sand.u32 $0xC00, s21;
	s28 =	sand.u32 $0x300, s27  }
0x47: {  	s17 =	sand.u32 $0x80, s27;
	s16 =	sadd.s32 s3, s16;
	s20 =	sadd.s32 s20, s21  }
.Ltmp5:
0x48: {  	s17 =	sor.u32 s17, s19;
	s20 =	sor.u32 s28, s20;
	(pc) =	sbr.rel .LBB1_7-.Ltmp5, $4  }
0x49: {  	s15 =	sadd.s32 s15, s16;
	s17 =	sshrl.u32 s17, $0x3;
	s29 =	sshrl.u32 s20, $0x3  }
0x4a: {  	s14 =	sshll.u32 s30, $0x12;
	s15 =	sadd.s32 s17, s15;
	s31 =	sand.u32 $0x1E0, s29  }
0x4b: {  	s14 =	sor.u32 $0x80, s14;
	s15 =	sadd.s32 s31, s15  }
0x4c: {  	[hbm4b:s15+s14] =	stream.strided.scatter [tilespmem:s18], [sflag:$0x2], $0x4000, s8, s14, $0x20;
	[tilespmem:$0x10100] =	vst v63  }
.LBB1_8:
0x4d: {  	_ =	sfence.sel $0x180000  }
0x4e: {  	s2 =	simm.s32 $0x1;
	[bflag:$0x0] =	sbarrier.arrive $0xFFFF  }
0x4f: {  	s31 =	simm.s32 $0x2;
	[sflag:s2] =	ssyncpa.u1 $0x1  }
0x50: {  	[sflag:s31] =	ssyncpa.u1 $0x1  }
0x51: {  	p0 =	sne.s32 s1, $0x0;
	_ =	strace $0x9000004A  }
0x52: {  	s0 =	sadd.s32 @!p0 $0x100000, s0;
	[bflag:$0x2] =	sbarrier.arrive $0xFFFF  }
0x53: {  	[sflag:s0] =	ssyncadd.tile.s32 @!p0 $0x1;
	_ =	shalt  }
.Lfunc_end1:
_tile_overlayer_lowered:
.L_overlay_start_2:
0x54: {  	(tag) =	ssettag $0x2  }
0x55: {  	s0 =	rddreg [dreg:$0x0];
	s2 =	stileid.u32  }
0x56: {  	s1 =	rddreg [dreg:$0x1];
	p0 =	sne.s32 s2, $0x0  }
0x57: {  	s3 =	rddreg [dreg:$0x2];
	[bflag:$0x3] =	sbarrier.arrive $0xFFFF;
	s2 =	simm.s32 @!p0 $0x1C01  }
0x58: {  	[timem:s3], [sflag:s2] =	dma.local @!p0 [hbm:s0], s1  }
0x59: {  	s0 =	simm.s32 @!p0 $0x1  }
0x5a: {  	_ =	swait.ge @!p0 [sflag:s0], s1  }
0x5b: {  	s1 =	ssub.s32 @!p0 $0x0, s1;
	[sflag:s0] =	ssyncset.done @!p0 $0x0  }
0x5c: {  	[sflag:s0] =	ssyncadd.s32 @!p0 s1  }
0x5d: {  	[bflag:$0x3] =	sbarrier.arrive $0xFFFF  }
0x5e: {  	_ =	shalt  }

</sc_bundles>
